<compile_context>
chip_gen: v7x
topology: tpu7x:2x2x1
jax: 0.10.2.dev20260603
libtpu: 0.0.44.dev20260713+nightly
codegen_flags: <defaults>
</compile_context>

<pallas_src>
import functools

import jax
import jax.numpy as jnp
from jax import lax
from jax.experimental import pallas as pl
from jax.experimental.pallas import tpu as pltpu
from jax.experimental.pallas import tpu_sc as plsc

NC = 2
NS = 16
HD = 128
IR = 128
CR = 128
BM = 1000


def _sc_segment_sums(table, didx, cidx, zacc, nr):
    ndb = didx.shape[3]
    ncb = cidx.shape[3]
    nx = (table.shape[0] - CR) // 2
    rpt = nr // NS
    mesh = plsc.VectorSubcoreMesh(core_axis_name="c", subcore_axis_name="s")

    @functools.partial(
        pl.kernel,
        mesh=mesh,
        out_type=jax.ShapeDtypeStruct((NC, 2, nr, HD), jnp.float32),
        scratch_types=[
            pltpu.VMEM((8, IR), jnp.int32),
            pltpu.VMEM((IR, HD), jnp.float32),
            pltpu.VMEM((IR, HD), jnp.float32),
            pltpu.VMEM_SHARED((CR, HD), jnp.float32),
            pltpu.VMEM_SHARED((nr, HD), jnp.float32),
            pltpu.SemaphoreType.DMA,
            pltpu.SemaphoreType.DMA,
        ],
    )
    def sc_kernel(table_hbm, didx_hbm, cidx_hbm, zacc_hbm, a_hbm,
                  idx_v, buf0, buf1, ident_v, acc, sem0, sem1):
        c = lax.axis_index("c")
        s = lax.axis_index("s")
        row0 = s * rpt
        bufs = (buf0, buf1)
        sems = (sem0, sem1)
        @pl.when(s == 0)
        def _():
            pltpu.sync_copy(table_hbm.at[pl.ds(2 * nx, CR)], ident_v)
        plsc.subcore_barrier()

        def run_blocks(src_ref, iref, nblk, rel, local):
            @pl.loop(0, nblk)
            def _(t):
                pltpu.sync_copy(iref.at[c, rel, s, t], idx_v)
                if local:
                    for b in range(4):
                        pltpu.sync_copy(src_ref.at[idx_v.at[b]], buf0)
                        pltpu.sync_copy(buf0, acc.at[idx_v.at[4 + b]],
                                        add=True)
                    return
                d = pltpu.async_copy(src_ref.at[idx_v.at[0]], buf0, sem0)
                for b in range(4):
                    if b < 3:
                        nxt = pltpu.async_copy(
                            src_ref.at[idx_v.at[b + 1]],
                            bufs[(b + 1) % 2], sems[(b + 1) % 2])
                    d.wait()
                    pltpu.sync_copy(bufs[b % 2], acc.at[idx_v.at[4 + b]],
                                    add=True)
                    if b < 3:
                        d = nxt

        for rel in range(2):
            pltpu.sync_copy(zacc_hbm, acc.at[pl.ds(row0, rpt)])
            plsc.subcore_barrier()
            run_blocks(table_hbm, didx_hbm, ndb, rel, local=False)
            run_blocks(ident_v, cidx_hbm, ncb, rel, local=True)
            plsc.subcore_barrier()
            pltpu.sync_copy(acc.at[pl.ds(row0, rpt)],
                            a_hbm.at[c, rel, pl.ds(row0, rpt)])
            plsc.subcore_barrier()

    return sc_kernel(table, didx, cidx, zacc)


def _tc_body(x_ref, a_ref, cnt_ref, w_ref, b_ref, ws_ref, bs_ref, o_ref):
    f32 = jnp.float32
    out = jnp.dot(x_ref[...], ws_ref[...], preferred_element_type=f32)
    out += bs_ref[...][None, :]
    for rel in range(2):
        for c in range(NC):
            out += jnp.dot(a_ref[c, rel],
                           w_ref[rel][c * HD:(c + 1) * HD, :],
                           preferred_element_type=f32)
        cnt = cnt_ref[0, rel, 0, 0] + cnt_ref[1, rel, 0, 0]
        out += cnt[:, None] * b_ref[rel][None, :]
    o_ref[...] = out


def _tc_combine(x, a, cnt, w, b, Ws, bs):
    n, d = x.shape
    dout = Ws.shape[1]
    bm = BM
    return pl.pallas_call(
        _tc_body,
        grid=(n // bm,),
        in_specs=[
            pl.BlockSpec((bm, d), lambda i: (i, 0)),
            pl.BlockSpec((NC, 2, bm, HD), lambda i: (0, 0, i, 0)),
            pl.BlockSpec((NC, 2, 1, 1, bm), lambda i: (0, 0, i, 0, 0)),
            pl.BlockSpec((2, d, dout), lambda i: (0, 0, 0)),
            pl.BlockSpec((2, dout), lambda i: (0, 0)),
            pl.BlockSpec((d, dout), lambda i: (0, 0)),
            pl.BlockSpec((dout,), lambda i: (0,)),
        ],
        out_specs=pl.BlockSpec((bm, dout), lambda i: (i, 0)),
        out_shape=jax.ShapeDtypeStruct((n, dout), jnp.float32),
    )(x, a, cnt, w, b, Ws, bs)


def kernel(x, edge_rel0, edge_rel1, edge_self, W0, b0, W1, b1, Ws, bs):
    n, d = x.shape
    e = edge_rel0.shape[1]
    xh = x.reshape(n, 2, HD).transpose(1, 0, 2).reshape(2 * n, HD)
    table = jnp.concatenate([xh, jnp.eye(CR, dtype=jnp.float32)], axis=0)

    n_pad = ((n // NS + 7) // 8 * 8) * NS
    if n_pad == n:
        n_pad += 8 * NS
    nr = n_pad + CR
    ept = e // NS
    blk = 4 * IR
    ept_pad = (ept + blk - 1) // blk * blk
    nb_all = ept_pad // blk

    def prep(edge):
        src = edge[0].reshape(NS, ept)
        dst = edge[1].reshape(NS, ept)
        pad = ept_pad - ept
        shp = (NS, nb_all, 4, IR)
        srcp = jnp.pad(src, ((0, 0), (0, pad))).reshape(shp)
        dstp = jnp.pad(dst, ((0, 0), (0, pad)),
                       constant_values=n_pad - 1).reshape(shp)
        csrc = jnp.pad(dst % CR, ((0, 0), (0, pad)),
                       constant_values=0).reshape(shp)
        cdst = jnp.pad(n_pad + dst // CR, ((0, 0), (0, pad)),
                       constant_values=n_pad - 1).reshape(shp)
        return srcp, dstp, csrc, cdst

    def pack(a_, b_):
        return jnp.concatenate([a_, b_], axis=2)

    s0, d0, cs0, cd0 = prep(edge_rel0)
    s1, d1, cs1, cd1 = prep(edge_rel1)
    didx = jnp.stack([
        jnp.stack([pack(s0, d0), pack(s1, d1)]),
        jnp.stack([pack(s0 + n, d0), pack(s1 + n, d1)]),
    ])
    h = nb_all // 2
    c0p, c1p = pack(cs0, cd0), pack(cs1, cd1)
    cidx = jnp.stack([
        jnp.stack([c0p[:, :h], c1p[:, :h]]),
        jnp.stack([c0p[:, h:], c1p[:, h:]]),
    ])
    zacc = jnp.zeros((nr // NS, HD), jnp.float32)

    a = _sc_segment_sums(table, didx, cidx, zacc, nr)

    cnt = a[:, :, n_pad:, :].reshape(NC, 2, CR * HD)[:, :, :n]
    cnt = cnt.reshape(NC, 2, n // BM, 1, BM)
    w = jnp.stack([W0, W1])
    b = jnp.stack([b0, b1])
    return _tc_combine(x, a, cnt, w, b, Ws, bs)

# --- scband reference (transcript-rebuilt; emitter-appended) ---
"""Pipeline reference for scband-graph-conv-86861418594879 (READ-ONLY COPY).

The authoritative reference and input builder live on the scoring server;
editing this copy changes nothing except your own understanding.
"""

import jax, jax.numpy as jnp
import numpy as np

N = 10000
E = 80000
D = 256
DOUT = 256


def setup_inputs(seed: int = 0) -> dict:
    key = jax.random.key(seed)
    ks = jax.random.split(key, 10)
    x = jax.random.normal(ks[0], (N, D), dtype=jnp.float32)
    edge_rel0 = jax.random.randint(ks[1], (2, E), 0, N, dtype=jnp.int32)
    edge_rel1 = jax.random.randint(ks[2], (2, E), 0, N, dtype=jnp.int32)
    loop = jnp.arange(N, dtype=jnp.int32)
    edge_self = jnp.stack([loop, loop])
    s = 1.0 / np.sqrt(D)
    W0 = jax.random.uniform(ks[3], (D, DOUT), jnp.float32, -s, s)
    b0 = jax.random.uniform(ks[4], (DOUT,), jnp.float32, -s, s)
    W1 = jax.random.uniform(ks[5], (D, DOUT), jnp.float32, -s, s)
    b1 = jax.random.uniform(ks[6], (DOUT,), jnp.float32, -s, s)
    Ws = jax.random.uniform(ks[7], (D, DOUT), jnp.float32, -s, s)
    bs = jax.random.uniform(ks[8], (DOUT,), jnp.float32, -s, s)
    return {"x": x, "edge_rel0": edge_rel0, "edge_rel1": edge_rel1, "edge_self": edge_self,
            "W0": W0, "b0": b0, "W1": W1, "b1": b1, "Ws": Ws, "bs": bs}


def reference(x, edge_rel0, edge_rel1, edge_self, W0, b0, W1, b1, Ws, bs):
    # GraphConv.forward: sum over edge types of propagate(edge_index, input, typ)
    # propagate: message = Linear_typ(input[source]); output = scatter_add(message, target, dim_size=N)
    def prop(edge_index, W, b):
        src = edge_index[0]
        dst = edge_index[1]
        msg = jnp.take(x, src, axis=0) @ W + b
        return jax.ops.segment_sum(msg, dst, num_segments=N)

    out = prop(edge_rel0, W0, b0)
    out = out + prop(edge_rel1, W1, b1)
    out = out + prop(edge_self, Ws, bs)  # self_loop=True so 'self' type is included
    return out

if __name__ == "__main__":
    import jax
    _d = setup_inputs()
    print(jax.jit(kernel)(*tuple(_d.values())))

</pallas_src>

<mosaic_0001>
#map = affine_map<(d0, d1) -> (0, 0)>
#map1 = affine_map<(d0, d1) -> (0, 0, 0, 0, 0, 0)>
#map2 = affine_map<(d0, d1) -> (0, 0, 0, 0)>
module attributes {stable_mosaic.version = 14 : i64} {
  func.func @sc_kernel(%arg0: i32, %arg1: i32, %arg2: memref<20128x128xf32, #tpu.memory_space<hbm>>, %arg3: memref<2x2x16x10x8x128xi32, #tpu.memory_space<hbm>>, %arg4: memref<2x2x16x5x8x128xi32, #tpu.memory_space<hbm>>, %arg5: memref<640x128xf32, #tpu.memory_space<hbm>>, %arg6: memref<2x2x10240x128xf32, #tpu.memory_space<hbm>>, %arg7: memref<8x128xi32, #tpu.memory_space<vmem>>, %arg8: memref<128x128xf32, #tpu.memory_space<vmem>>, %arg9: memref<128x128xf32, #tpu.memory_space<vmem>>, %arg10: memref<128x128xf32, #tpu.memory_space<vmem_shared>>, %arg11: memref<10240x128xf32, #tpu.memory_space<vmem_shared>>, %arg12: memref<!tpu.dma_semaphore, #tpu.memory_space<semaphore_mem>>, %arg13: memref<!tpu.dma_semaphore, #tpu.memory_space<semaphore_mem>>) attributes {dimension_semantics = [#tpu.dimension_semantics<core_parallel>, #tpu.dimension_semantics<subcore_parallel>], iteration_bounds = array<i64: 2, 16>, scalar_prefetch = 0 : i64, scratch_operands = 7 : i64, tpu.core_type = #tpu.core_type<sc_vector_subcore>, window_params = [{transform_indices = #map}, {transform_indices = #map1}, {transform_indices = #map1}, {transform_indices = #map}, {transform_indices = #map2}]} {
    %mul3A = arith.constant 640 : i32
    %mul3A_0 = arith.muli %arg1, %mul3A : i32
    %eq3A = arith.constant 0 : i32
    %eq3A_1 = arith.cmpi eq, %arg1, %eq3A : i32
    %convert_element_type3A = arith.extui %eq3A_1 : i1 to i32
    %cond3A = arith.constant 0 : i32
    %cond3A_2 = arith.cmpi ne, %convert_element_type3A, %cond3A : i32
    scf.if %cond3A_2 {
      "tpu.region"() ({
        %run_scoped3A_29 = tpu.sem_alloc : memref<!tpu.dma_semaphore, #tpu.memory_space<semaphore_mem>>
        %dma_start3A = arith.constant 20000 : i32
        %dma_start3A_30 = arith.constant 0 : i32
        %dma_start3A_31 = tpu.memref_slice %arg2[%dma_start3A, %dma_start3A_30] : memref<20128x128xf32, #tpu.memory_space<hbm>> -> memref<128x128xf32, #tpu.memory_space<hbm>>
        tpu.enqueue_dma source(%dma_start3A_31 : memref<128x128xf32, #tpu.memory_space<hbm>>) target(%arg10 : memref<128x128xf32, #tpu.memory_space<vmem_shared>>) target_semaphore(%run_scoped3A_29 : memref<!tpu.dma_semaphore, #tpu.memory_space<semaphore_mem>>)
        %dma_wait3A = arith.constant 20000 : i32
        %dma_wait3A_32 = arith.constant 0 : i32
        %dma_wait3A_33 = tpu.memref_slice %arg2[%dma_wait3A, %dma_wait3A_32] : memref<20128x128xf32, #tpu.memory_space<hbm>> -> memref<128x128xf32, #tpu.memory_space<hbm>>
        tpu.wait_dma2 semaphore(%run_scoped3A_29 : memref<!tpu.dma_semaphore, #tpu.memory_space<semaphore_mem>>) src(%dma_wait3A_33 : memref<128x128xf32, #tpu.memory_space<hbm>>) dst(%arg10 : memref<128x128xf32, #tpu.memory_space<vmem_shared>>)
        tpu.yield
      }) : () -> ()
    } else {
    }
    %barrier3A = arith.constant 0 : index
    tpu.barrier barrier_id(%barrier3A)
    "tpu.region"() ({
      %run_scoped3A_29 = tpu.sem_alloc : memref<!tpu.dma_semaphore, #tpu.memory_space<semaphore_mem>>
      %dma_start3A = arith.constant 0 : i32
      %dma_start3A_30 = tpu.memref_slice %arg11[%mul3A_0, %dma_start3A] : memref<10240x128xf32, #tpu.memory_space<vmem_shared>> -> memref<640x128xf32, #tpu.memory_space<vmem_shared>>
      tpu.enqueue_dma source(%arg5 : memref<640x128xf32, #tpu.memory_space<hbm>>) target(%dma_start3A_30 : memref<640x128xf32, #tpu.memory_space<vmem_shared>>) target_semaphore(%run_scoped3A_29 : memref<!tpu.dma_semaphore, #tpu.memory_space<semaphore_mem>>)
      %dma_wait3A = arith.constant 0 : i32
      %dma_wait3A_31 = tpu.memref_slice %arg11[%mul3A_0, %dma_wait3A] : memref<10240x128xf32, #tpu.memory_space<vmem_shared>> -> memref<640x128xf32, #tpu.memory_space<vmem_shared>>
      tpu.wait_dma2 semaphore(%run_scoped3A_29 : memref<!tpu.dma_semaphore, #tpu.memory_space<semaphore_mem>>) src(%arg5 : memref<640x128xf32, #tpu.memory_space<hbm>>) dst(%dma_wait3A_31 : memref<640x128xf32, #tpu.memory_space<vmem_shared>>)
      tpu.yield
    }) : () -> ()
    %barrier3A_3 = arith.constant 0 : index
    tpu.barrier barrier_id(%barrier3A_3)
    %scan3A = arith.constant 0 : i32
    %scan3A_4 = arith.constant 10 : i32
    %scan3A_5 = arith.addi %scan3A, %scan3A_4 : i32
    %scan3A_6 = arith.constant 1 : i32
    scf.for %scan3A_29 = %scan3A to %scan3A_5 step %scan3A_6  : i32 {
      %mul3A_30 = arith.constant 1 : i32
      %mul3A_31 = arith.muli %scan3A_29, %mul3A_30 : i32
      %add3A = arith.constant 0 : i32
      %add3A_32 = arith.addi %add3A, %mul3A_31 : i32
      %run_scoped3A_33 = arith.constant 0 : i32
      "tpu.region"() ({
        %run_scoped3A_92 = tpu.sem_alloc : memref<!tpu.dma_semaphore, #tpu.memory_space<semaphore_mem>>
        %dma_start3A_93 = arith.constant 0 : i32
        %dma_start3A_94 = arith.constant 0 : i32
        %dma_start3A_95 = tpu.memref_slice %arg3[%arg0, %run_scoped3A_33, %arg1, %add3A_32, %dma_start3A_93, %dma_start3A_94] : memref<2x2x16x10x8x128xi32, #tpu.memory_space<hbm>> -> memref<1x1x1x1x8x128xi32, #tpu.memory_space<hbm>>
        %dma_start3A_96 = tpu.memref_squeeze %dma_start3A_95 : memref<1x1x1x1x8x128xi32, #tpu.memory_space<hbm>> -> memref<8x128xi32, #tpu.memory_space<hbm>>
        %dma_start3A_97 = arith.constant 0 : i32
        %dma_start3A_98 = arith.constant 0 : i32
        %dma_start3A_99 = tpu.memref_slice %arg3[%arg0, %run_scoped3A_33, %arg1, %add3A_32, %dma_start3A_97, %dma_start3A_98] : memref<2x2x16x10x8x128xi32, #tpu.memory_space<hbm>> -> memref<1x1x1x1x8x128xi32, #tpu.memory_space<hbm>>
        %dma_start3A_100 = tpu.memref_squeeze %dma_start3A_99 : memref<1x1x1x1x8x128xi32, #tpu.memory_space<hbm>> -> memref<8x128xi32, #tpu.memory_space<hbm>>
        tpu.enqueue_dma source(%dma_start3A_100 : memref<8x128xi32, #tpu.memory_space<hbm>>) target(%arg7 : memref<8x128xi32, #tpu.memory_space<vmem>>) target_semaphore(%run_scoped3A_92 : memref<!tpu.dma_semaphore, #tpu.memory_space<semaphore_mem>>)
        %dma_wait3A_101 = arith.constant 0 : i32
        %dma_wait3A_102 = arith.constant 0 : i32
        %dma_wait3A_103 = tpu.memref_slice %arg3[%arg0, %run_scoped3A_33, %arg1, %add3A_32, %dma_wait3A_101, %dma_wait3A_102] : memref<2x2x16x10x8x128xi32, #tpu.memory_space<hbm>> -> memref<1x1x1x1x8x128xi32, #tpu.memory_space<hbm>>
        %dma_wait3A_104 = tpu.memref_squeeze %dma_wait3A_103 : memref<1x1x1x1x8x128xi32, #tpu.memory_space<hbm>> -> memref<8x128xi32, #tpu.memory_space<hbm>>
        %dma_wait3A_105 = arith.constant 0 : i32
        %dma_wait3A_106 = arith.constant 0 : i32
        %dma_wait3A_107 = tpu.memref_slice %arg3[%arg0, %run_scoped3A_33, %arg1, %add3A_32, %dma_wait3A_105, %dma_wait3A_106] : memref<2x2x16x10x8x128xi32, #tpu.memory_space<hbm>> -> memref<1x1x1x1x8x128xi32, #tpu.memory_space<hbm>>
        %dma_wait3A_108 = tpu.memref_squeeze %dma_wait3A_107 : memref<1x1x1x1x8x128xi32, #tpu.memory_space<hbm>> -> memref<8x128xi32, #tpu.memory_space<hbm>>
        tpu.wait_dma2 semaphore(%run_scoped3A_92 : memref<!tpu.dma_semaphore, #tpu.memory_space<semaphore_mem>>) src(%dma_wait3A_108 : memref<8x128xi32, #tpu.memory_space<hbm>>) dst(%arg7 : memref<8x128xi32, #tpu.memory_space<vmem>>)
        tpu.yield
      }) : () -> ()
      %dma_start3A = arith.constant 0 : i32
      %dma_start3A_34 = arith.constant 0 : i32
      %dma_start3A_35 = tpu.memref_slice %arg7[%dma_start3A, %dma_start3A_34] : memref<8x128xi32, #tpu.memory_space<vmem>> -> memref<1x128xi32, #tpu.memory_space<vmem>>
      %dma_start3A_36 = tpu.memref_squeeze %dma_start3A_35 : memref<1x128xi32, #tpu.memory_space<vmem>> -> memref<128xi32, #tpu.memory_space<vmem>>
      %dma_start3A_37 = arith.constant 0 : i32
      %dma_start3A_38 = arith.constant 0 : i32
      %dma_start3A_39 = tpu.memref_slice %arg2[%dma_start3A_37, %dma_start3A_38] : memref<20128x128xf32, #tpu.memory_space<hbm>> -> memref<20128x128xf32, #tpu.memory_space<hbm>>
      tpu.enqueue_indirect_dma source(%dma_start3A_39 : memref<20128x128xf32, #tpu.memory_space<hbm>>) target(%arg8 : memref<128x128xf32, #tpu.memory_space<vmem>>) offsets(%dma_start3A_36 : memref<128xi32, #tpu.memory_space<vmem>>) semaphore(%arg12 : memref<!tpu.dma_semaphore, #tpu.memory_space<semaphore_mem>>)
      %dma_start3A_40 = arith.constant 1 : i32
      %dma_start3A_41 = arith.constant 0 : i32
      %dma_start3A_42 = tpu.memref_slice %arg7[%dma_start3A_40, %dma_start3A_41] : memref<8x128xi32, #tpu.memory_space<vmem>> -> memref<1x128xi32, #tpu.memory_space<vmem>>
      %dma_start3A_43 = tpu.memref_squeeze %dma_start3A_42 : memref<1x128xi32, #tpu.memory_space<vmem>> -> memref<128xi32, #tpu.memory_space<vmem>>
      %dma_start3A_44 = arith.constant 0 : i32
      %dma_start3A_45 = arith.constant 0 : i32
      %dma_start3A_46 = tpu.memref_slice %arg2[%dma_start3A_44, %dma_start3A_45] : memref<20128x128xf32, #tpu.memory_space<hbm>> -> memref<20128x128xf32, #tpu.memory_space<hbm>>
      tpu.enqueue_indirect_dma source(%dma_start3A_46 : memref<20128x128xf32, #tpu.memory_space<hbm>>) target(%arg9 : memref<128x128xf32, #tpu.memory_space<vmem>>) offsets(%dma_start3A_43 : memref<128xi32, #tpu.memory_space<vmem>>) semaphore(%arg13 : memref<!tpu.dma_semaphore, #tpu.memory_space<semaphore_mem>>)
      %dma_wait3A = arith.constant 0 : i32
      %dma_wait3A_47 = arith.constant 0 : i32
      %dma_wait3A_48 = tpu.memref_slice %arg7[%dma_wait3A, %dma_wait3A_47] : memref<8x128xi32, #tpu.memory_space<vmem>> -> memref<1x128xi32, #tpu.memory_space<vmem>>
      %dma_wait3A_49 = tpu.memref_squeeze %dma_wait3A_48 : memref<1x128xi32, #tpu.memory_space<vmem>> -> memref<128xi32, #tpu.memory_space<vmem>>
      %dma_wait3A_50 = arith.constant 0 : i32
      %dma_wait3A_51 = arith.constant 0 : i32
      %dma_wait3A_52 = tpu.memref_slice %arg2[%dma_wait3A_50, %dma_wait3A_51] : memref<20128x128xf32, #tpu.memory_space<hbm>> -> memref<20128x128xf32, #tpu.memory_space<hbm>>
      tpu.wait_indirect_dma semaphore(%arg12 : memref<!tpu.dma_semaphore, #tpu.memory_space<semaphore_mem>>) src(%dma_wait3A_52 : memref<20128x128xf32, #tpu.memory_space<hbm>>) dst(%arg8 : memref<128x128xf32, #tpu.memory_space<vmem>>)
      %run_scoped3A_53 = arith.constant 4 : i32
      "tpu.region"() ({
        %run_scoped3A_92 = tpu.sem_alloc : memref<!tpu.dma_semaphore, #tpu.memory_space<semaphore_mem>>
        %dma_start3A_93 = arith.constant 0 : i32
        %dma_start3A_94 = tpu.memref_slice %arg7[%run_scoped3A_53, %dma_start3A_93] : memref<8x128xi32, #tpu.memory_space<vmem>> -> memref<1x128xi32, #tpu.memory_space<vmem>>
        %dma_start3A_95 = tpu.memref_squeeze %dma_start3A_94 : memref<1x128xi32, #tpu.memory_space<vmem>> -> memref<128xi32, #tpu.memory_space<vmem>>
        %dma_start3A_96 = arith.constant 0 : i32
        %dma_start3A_97 = arith.constant 0 : i32
        %dma_start3A_98 = tpu.memref_slice %arg11[%dma_start3A_96, %dma_start3A_97] : memref<10240x128xf32, #tpu.memory_space<vmem_shared>> -> memref<10240x128xf32, #tpu.memory_space<vmem_shared>>
        tpu.enqueue_indirect_dma source(%arg8 : memref<128x128xf32, #tpu.memory_space<vmem>>) target(%dma_start3A_98 : memref<10240x128xf32, #tpu.memory_space<vmem_shared>>) offsets(%dma_start3A_95 : memref<128xi32, #tpu.memory_space<vmem>>) semaphore(%run_scoped3A_92 : memref<!tpu.dma_semaphore, #tpu.memory_space<semaphore_mem>>) {add = true}
        %dma_wait3A_99 = arith.constant 0 : i32
        %dma_wait3A_100 = tpu.memref_slice %arg7[%run_scoped3A_53, %dma_wait3A_99] : memref<8x128xi32, #tpu.memory_space<vmem>> -> memref<1x128xi32, #tpu.memory_space<vmem>>
        %dma_wait3A_101 = tpu.memref_squeeze %dma_wait3A_100 : memref<1x128xi32, #tpu.memory_space<vmem>> -> memref<128xi32, #tpu.memory_space<vmem>>
        %dma_wait3A_102 = arith.constant 0 : i32
        %dma_wait3A_103 = arith.constant 0 : i32
        %dma_wait3A_104 = tpu.memref_slice %arg11[%dma_wait3A_102, %dma_wait3A_103] : memref<10240x128xf32, #tpu.memory_space<vmem_shared>> -> memref<10240x128xf32, #tpu.memory_space<vmem_shared>>
        tpu.wait_indirect_dma semaphore(%run_scoped3A_92 : memref<!tpu.dma_semaphore, #tpu.memory_space<semaphore_mem>>) src(%arg8 : memref<128x128xf32, #tpu.memory_space<vmem>>) dst(%dma_wait3A_104 : memref<10240x128xf32, #tpu.memory_space<vmem_shared>>)
        tpu.yield
      }) : () -> ()
      %dma_start3A_54 = arith.constant 2 : i32
      %dma_start3A_55 = arith.constant 0 : i32
      %dma_start3A_56 = tpu.memref_slice %arg7[%dma_start3A_54, %dma_start3A_55] : memref<8x128xi32, #tpu.memory_space<vmem>> -> memref<1x128xi32, #tpu.memory_space<vmem>>
      %dma_start3A_57 = tpu.memref_squeeze %dma_start3A_56 : memref<1x128xi32, #tpu.memory_space<vmem>> -> memref<128xi32, #tpu.memory_space<vmem>>
      %dma_start3A_58 = arith.constant 0 : i32
      %dma_start3A_59 = arith.constant 0 : i32
      %dma_start3A_60 = tpu.memref_slice %arg2[%dma_start3A_58, %dma_start3A_59] : memref<20128x128xf32, #tpu.memory_space<hbm>> -> memref<20128x128xf32, #tpu.memory_space<hbm>>
      tpu.enqueue_indirect_dma source(%dma_start3A_60 : memref<20128x128xf32, #tpu.memory_space<hbm>>) target(%arg8 : memref<128x128xf32, #tpu.memory_space<vmem>>) offsets(%dma_start3A_57 : memref<128xi32, #tpu.memory_space<vmem>>) semaphore(%arg12 : memref<!tpu.dma_semaphore, #tpu.memory_space<semaphore_mem>>)
      %dma_wait3A_61 = arith.constant 1 : i32
      %dma_wait3A_62 = arith.constant 0 : i32
      %dma_wait3A_63 = tpu.memref_slice %arg7[%dma_wait3A_61, %dma_wait3A_62] : memref<8x128xi32, #tpu.memory_space<vmem>> -> memref<1x128xi32, #tpu.memory_space<vmem>>
      %dma_wait3A_64 = tpu.memref_squeeze %dma_wait3A_63 : memref<1x128xi32, #tpu.memory_space<vmem>> -> memref<128xi32, #tpu.memory_space<vmem>>
      %dma_wait3A_65 = arith.constant 0 : i32
      %dma_wait3A_66 = arith.constant 0 : i32
      %dma_wait3A_67 = tpu.memref_slice %arg2[%dma_wait3A_65, %dma_wait3A_66] : memref<20128x128xf32, #tpu.memory_space<hbm>> -> memref<20128x128xf32, #tpu.memory_space<hbm>>
      tpu.wait_indirect_dma semaphore(%arg13 : memref<!tpu.dma_semaphore, #tpu.memory_space<semaphore_mem>>) src(%dma_wait3A_67 : memref<20128x128xf32, #tpu.memory_space<hbm>>) dst(%arg9 : memref<128x128xf32, #tpu.memory_space<vmem>>)
      %run_scoped3A_68 = arith.constant 5 : i32
      "tpu.region"() ({
        %run_scoped3A_92 = tpu.sem_alloc : memref<!tpu.dma_semaphore, #tpu.memory_space<semaphore_mem>>
        %dma_start3A_93 = arith.constant 0 : i32
        %dma_start3A_94 = tpu.memref_slice %arg7[%run_scoped3A_68, %dma_start3A_93] : memref<8x128xi32, #tpu.memory_space<vmem>> -> memref<1x128xi32, #tpu.memory_space<vmem>>
        %dma_start3A_95 = tpu.memref_squeeze %dma_start3A_94 : memref<1x128xi32, #tpu.memory_space<vmem>> -> memref<128xi32, #tpu.memory_space<vmem>>
        %dma_start3A_96 = arith.constant 0 : i32
        %dma_start3A_97 = arith.constant 0 : i32
        %dma_start3A_98 = tpu.memref_slice %arg11[%dma_start3A_96, %dma_start3A_97] : memref<10240x128xf32, #tpu.memory_space<vmem_shared>> -> memref<10240x128xf32, #tpu.memory_space<vmem_shared>>
        tpu.enqueue_indirect_dma source(%arg9 : memref<128x128xf32, #tpu.memory_space<vmem>>) target(%dma_start3A_98 : memref<10240x128xf32, #tpu.memory_space<vmem_shared>>) offsets(%dma_start3A_95 : memref<128xi32, #tpu.memory_space<vmem>>) semaphore(%run_scoped3A_92 : memref<!tpu.dma_semaphore, #tpu.memory_space<semaphore_mem>>) {add = true}
        %dma_wait3A_99 = arith.constant 0 : i32
        %dma_wait3A_100 = tpu.memref_slice %arg7[%run_scoped3A_68, %dma_wait3A_99] : memref<8x128xi32, #tpu.memory_space<vmem>> -> memref<1x128xi32, #tpu.memory_space<vmem>>
        %dma_wait3A_101 = tpu.memref_squeeze %dma_wait3A_100 : memref<1x128xi32, #tpu.memory_space<vmem>> -> memref<128xi32, #tpu.memory_space<vmem>>
        %dma_wait3A_102 = arith.constant 0 : i32
        %dma_wait3A_103 = arith.constant 0 : i32
        %dma_wait3A_104 = tpu.memref_slice %arg11[%dma_wait3A_102, %dma_wait3A_103] : memref<10240x128xf32, #tpu.memory_space<vmem_shared>> -> memref<10240x128xf32, #tpu.memory_space<vmem_shared>>
        tpu.wait_indirect_dma semaphore(%run_scoped3A_92 : memref<!tpu.dma_semaphore, #tpu.memory_space<semaphore_mem>>) src(%arg9 : memref<128x128xf32, #tpu.memory_space<vmem>>) dst(%dma_wait3A_104 : memref<10240x128xf32, #tpu.memory_space<vmem_shared>>)
        tpu.yield
      }) : () -> ()
      %dma_start3A_69 = arith.constant 3 : i32
      %dma_start3A_70 = arith.constant 0 : i32
      %dma_start3A_71 = tpu.memref_slice %arg7[%dma_start3A_69, %dma_start3A_70] : memref<8x128xi32, #tpu.memory_space<vmem>> -> memref<1x128xi32, #tpu.memory_space<vmem>>
      %dma_start3A_72 = tpu.memref_squeeze %dma_start3A_71 : memref<1x128xi32, #tpu.memory_space<vmem>> -> memref<128xi32, #tpu.memory_space<vmem>>
      %dma_start3A_73 = arith.constant 0 : i32
      %dma_start3A_74 = arith.constant 0 : i32
      %dma_start3A_75 = tpu.memref_slice %arg2[%dma_start3A_73, %dma_start3A_74] : memref<20128x128xf32, #tpu.memory_space<hbm>> -> memref<20128x128xf32, #tpu.memory_space<hbm>>
      tpu.enqueue_indirect_dma source(%dma_start3A_75 : memref<20128x128xf32, #tpu.memory_space<hbm>>) target(%arg9 : memref<128x128xf32, #tpu.memory_space<vmem>>) offsets(%dma_start3A_72 : memref<128xi32, #tpu.memory_space<vmem>>) semaphore(%arg13 : memref<!tpu.dma_semaphore, #tpu.memory_space<semaphore_mem>>)
      %dma_wait3A_76 = arith.constant 2 : i32
      %dma_wait3A_77 = arith.constant 0 : i32
      %dma_wait3A_78 = tpu.memref_slice %arg7[%dma_wait3A_76, %dma_wait3A_77] : memref<8x128xi32, #tpu.memory_space<vmem>> -> memref<1x128xi32, #tpu.memory_space<vmem>>
      %dma_wait3A_79 = tpu.memref_squeeze %dma_wait3A_78 : memref<1x128xi32, #tpu.memory_space<vmem>> -> memref<128xi32, #tpu.memory_space<vmem>>
      %dma_wait3A_80 = arith.constant 0 : i32
      %dma_wait3A_81 = arith.constant 0 : i32
      %dma_wait3A_82 = tpu.memref_slice %arg2[%dma_wait3A_80, %dma_wait3A_81] : memref<20128x128xf32, #tpu.memory_space<hbm>> -> memref<20128x128xf32, #tpu.memory_space<hbm>>
      tpu.wait_indirect_dma semaphore(%arg12 : memref<!tpu.dma_semaphore, #tpu.memory_space<semaphore_mem>>) src(%dma_wait3A_82 : memref<20128x128xf32, #tpu.memory_space<hbm>>) dst(%arg8 : memref<128x128xf32, #tpu.memory_space<vmem>>)
      %run_scoped3A_83 = arith.constant 6 : i32
      "tpu.region"() ({
        %run_scoped3A_92 = tpu.sem_alloc : memref<!tpu.dma_semaphore, #tpu.memory_space<semaphore_mem>>
        %dma_start3A_93 = arith.constant 0 : i32
        %dma_start3A_94 = tpu.memref_slice %arg7[%run_scoped3A_83, %dma_start3A_93] : memref<8x128xi32, #tpu.memory_space<vmem>> -> memref<1x128xi32, #tpu.memory_space<vmem>>
        %dma_start3A_95 = tpu.memref_squeeze %dma_start3A_94 : memref<1x128xi32, #tpu.memory_space<vmem>> -> memref<128xi32, #tpu.memory_space<vmem>>
        %dma_start3A_96 = arith.constant 0 : i32
        %dma_start3A_97 = arith.constant 0 : i32
        %dma_start3A_98 = tpu.memref_slice %arg11[%dma_start3A_96, %dma_start3A_97] : memref<10240x128xf32, #tpu.memory_space<vmem_shared>> -> memref<10240x128xf32, #tpu.memory_space<vmem_shared>>
        tpu.enqueue_indirect_dma source(%arg8 : memref<128x128xf32, #tpu.memory_space<vmem>>) target(%dma_start3A_98 : memref<10240x128xf32, #tpu.memory_space<vmem_shared>>) offsets(%dma_start3A_95 : memref<128xi32, #tpu.memory_space<vmem>>) semaphore(%run_scoped3A_92 : memref<!tpu.dma_semaphore, #tpu.memory_space<semaphore_mem>>) {add = true}
        %dma_wait3A_99 = arith.constant 0 : i32
        %dma_wait3A_100 = tpu.memref_slice %arg7[%run_scoped3A_83, %dma_wait3A_99] : memref<8x128xi32, #tpu.memory_space<vmem>> -> memref<1x128xi32, #tpu.memory_space<vmem>>
        %dma_wait3A_101 = tpu.memref_squeeze %dma_wait3A_100 : memref<1x128xi32, #tpu.memory_space<vmem>> -> memref<128xi32, #tpu.memory_space<vmem>>
        %dma_wait3A_102 = arith.constant 0 : i32
        %dma_wait3A_103 = arith.constant 0 : i32
        %dma_wait3A_104 = tpu.memref_slice %arg11[%dma_wait3A_102, %dma_wait3A_103] : memref<10240x128xf32, #tpu.memory_space<vmem_shared>> -> memref<10240x128xf32, #tpu.memory_space<vmem_shared>>
        tpu.wait_indirect_dma semaphore(%run_scoped3A_92 : memref<!tpu.dma_semaphore, #tpu.memory_space<semaphore_mem>>) src(%arg8 : memref<128x128xf32, #tpu.memory_space<vmem>>) dst(%dma_wait3A_104 : memref<10240x128xf32, #tpu.memory_space<vmem_shared>>)
        tpu.yield
      }) : () -> ()
      %dma_wait3A_84 = arith.constant 3 : i32
      %dma_wait3A_85 = arith.constant 0 : i32
      %dma_wait3A_86 = tpu.memref_slice %arg7[%dma_wait3A_84, %dma_wait3A_85] : memref<8x128xi32, #tpu.memory_space<vmem>> -> memref<1x128xi32, #tpu.memory_space<vmem>>
      %dma_wait3A_87 = tpu.memref_squeeze %dma_wait3A_86 : memref<1x128xi32, #tpu.memory_space<vmem>> -> memref<128xi32, #tpu.memory_space<vmem>>
      %dma_wait3A_88 = arith.constant 0 : i32
      %dma_wait3A_89 = arith.constant 0 : i32
      %dma_wait3A_90 = tpu.memref_slice %arg2[%dma_wait3A_88, %dma_wait3A_89] : memref<20128x128xf32, #tpu.memory_space<hbm>> -> memref<20128x128xf32, #tpu.memory_space<hbm>>
      tpu.wait_indirect_dma semaphore(%arg13 : memref<!tpu.dma_semaphore, #tpu.memory_space<semaphore_mem>>) src(%dma_wait3A_90 : memref<20128x128xf32, #tpu.memory_space<hbm>>) dst(%arg9 : memref<128x128xf32, #tpu.memory_space<vmem>>)
      %run_scoped3A_91 = arith.constant 7 : i32
      "tpu.region"() ({
        %run_scoped3A_92 = tpu.sem_alloc : memref<!tpu.dma_semaphore, #tpu.memory_space<semaphore_mem>>
        %dma_start3A_93 = arith.constant 0 : i32
        %dma_start3A_94 = tpu.memref_slice %arg7[%run_scoped3A_91, %dma_start3A_93] : memref<8x128xi32, #tpu.memory_space<vmem>> -> memref<1x128xi32, #tpu.memory_space<vmem>>
        %dma_start3A_95 = tpu.memref_squeeze %dma_start3A_94 : memref<1x128xi32, #tpu.memory_space<vmem>> -> memref<128xi32, #tpu.memory_space<vmem>>
        %dma_start3A_96 = arith.constant 0 : i32
        %dma_start3A_97 = arith.constant 0 : i32
        %dma_start3A_98 = tpu.memref_slice %arg11[%dma_start3A_96, %dma_start3A_97] : memref<10240x128xf32, #tpu.memory_space<vmem_shared>> -> memref<10240x128xf32, #tpu.memory_space<vmem_shared>>
        tpu.enqueue_indirect_dma source(%arg9 : memref<128x128xf32, #tpu.memory_space<vmem>>) target(%dma_start3A_98 : memref<10240x128xf32, #tpu.memory_space<vmem_shared>>) offsets(%dma_start3A_95 : memref<128xi32, #tpu.memory_space<vmem>>) semaphore(%run_scoped3A_92 : memref<!tpu.dma_semaphore, #tpu.memory_space<semaphore_mem>>) {add = true}
        %dma_wait3A_99 = arith.constant 0 : i32
        %dma_wait3A_100 = tpu.memref_slice %arg7[%run_scoped3A_91, %dma_wait3A_99] : memref<8x128xi32, #tpu.memory_space<vmem>> -> memref<1x128xi32, #tpu.memory_space<vmem>>
        %dma_wait3A_101 = tpu.memref_squeeze %dma_wait3A_100 : memref<1x128xi32, #tpu.memory_space<vmem>> -> memref<128xi32, #tpu.memory_space<vmem>>
        %dma_wait3A_102 = arith.constant 0 : i32
        %dma_wait3A_103 = arith.constant 0 : i32
        %dma_wait3A_104 = tpu.memref_slice %arg11[%dma_wait3A_102, %dma_wait3A_103] : memref<10240x128xf32, #tpu.memory_space<vmem_shared>> -> memref<10240x128xf32, #tpu.memory_space<vmem_shared>>
        tpu.wait_indirect_dma semaphore(%run_scoped3A_92 : memref<!tpu.dma_semaphore, #tpu.memory_space<semaphore_mem>>) src(%arg9 : memref<128x128xf32, #tpu.memory_space<vmem>>) dst(%dma_wait3A_104 : memref<10240x128xf32, #tpu.memory_space<vmem_shared>>)
        tpu.yield
      }) : () -> ()
    }
    %scan3A_7 = arith.constant 10 : i32
    %scan3A_8 = arith.constant 0 : i32
    %scan3A_9 = arith.constant 5 : i32
    %scan3A_10 = arith.addi %scan3A_8, %scan3A_9 : i32
    %scan3A_11 = arith.constant 1 : i32
    scf.for %scan3A_29 = %scan3A_8 to %scan3A_10 step %scan3A_11  : i32 {
      %mul3A_30 = arith.constant 1 : i32
      %mul3A_31 = arith.muli %scan3A_29, %mul3A_30 : i32
      %add3A = arith.constant 0 : i32
      %add3A_32 = arith.addi %add3A, %mul3A_31 : i32
      %run_scoped3A_33 = arith.constant 0 : i32
      "tpu.region"() ({
        %run_scoped3A_42 = tpu.sem_alloc : memref<!tpu.dma_semaphore, #tpu.memory_space<semaphore_mem>>
        %dma_start3A = arith.constant 0 : i32
        %dma_start3A_43 = arith.constant 0 : i32
        %dma_start3A_44 = tpu.memref_slice %arg4[%arg0, %run_scoped3A_33, %arg1, %add3A_32, %dma_start3A, %dma_start3A_43] : memref<2x2x16x5x8x128xi32, #tpu.memory_space<hbm>> -> memref<1x1x1x1x8x128xi32, #tpu.memory_space<hbm>>
        %dma_start3A_45 = tpu.memref_squeeze %dma_start3A_44 : memref<1x1x1x1x8x128xi32, #tpu.memory_space<hbm>> -> memref<8x128xi32, #tpu.memory_space<hbm>>
        %dma_start3A_46 = arith.constant 0 : i32
        %dma_start3A_47 = arith.constant 0 : i32
        %dma_start3A_48 = tpu.memref_slice %arg4[%arg0, %run_scoped3A_33, %arg1, %add3A_32, %dma_start3A_46, %dma_start3A_47] : memref<2x2x16x5x8x128xi32, #tpu.memory_space<hbm>> -> memref<1x1x1x1x8x128xi32, #tpu.memory_space<hbm>>
        %dma_start3A_49 = tpu.memref_squeeze %dma_start3A_48 : memref<1x1x1x1x8x128xi32, #tpu.memory_space<hbm>> -> memref<8x128xi32, #tpu.memory_space<hbm>>
        tpu.enqueue_dma source(%dma_start3A_49 : memref<8x128xi32, #tpu.memory_space<hbm>>) target(%arg7 : memref<8x128xi32, #tpu.memory_space<vmem>>) target_semaphore(%run_scoped3A_42 : memref<!tpu.dma_semaphore, #tpu.memory_space<semaphore_mem>>)
        %dma_wait3A = arith.constant 0 : i32
        %dma_wait3A_50 = arith.constant 0 : i32
        %dma_wait3A_51 = tpu.memref_slice %arg4[%arg0, %run_scoped3A_33, %arg1, %add3A_32, %dma_wait3A, %dma_wait3A_50] : memref<2x2x16x5x8x128xi32, #tpu.memory_space<hbm>> -> memref<1x1x1x1x8x128xi32, #tpu.memory_space<hbm>>
        %dma_wait3A_52 = tpu.memref_squeeze %dma_wait3A_51 : memref<1x1x1x1x8x128xi32, #tpu.memory_space<hbm>> -> memref<8x128xi32, #tpu.memory_space<hbm>>
        %dma_wait3A_53 = arith.constant 0 : i32
        %dma_wait3A_54 = arith.constant 0 : i32
        %dma_wait3A_55 = tpu.memref_slice %arg4[%arg0, %run_scoped3A_33, %arg1, %add3A_32, %dma_wait3A_53, %dma_wait3A_54] : memref<2x2x16x5x8x128xi32, #tpu.memory_space<hbm>> -> memref<1x1x1x1x8x128xi32, #tpu.memory_space<hbm>>
        %dma_wait3A_56 = tpu.memref_squeeze %dma_wait3A_55 : memref<1x1x1x1x8x128xi32, #tpu.memory_space<hbm>> -> memref<8x128xi32, #tpu.memory_space<hbm>>
        tpu.wait_dma2 semaphore(%run_scoped3A_42 : memref<!tpu.dma_semaphore, #tpu.memory_space<semaphore_mem>>) src(%dma_wait3A_56 : memref<8x128xi32, #tpu.memory_space<hbm>>) dst(%arg7 : memref<8x128xi32, #tpu.memory_space<vmem>>)
        tpu.yield
      }) : () -> ()
      %run_scoped3A_34 = arith.constant 0 : i32
      "tpu.region"() ({
        %run_scoped3A_42 = tpu.sem_alloc : memref<!tpu.dma_semaphore, #tpu.memory_space<semaphore_mem>>
        %dma_start3A = arith.constant 0 : i32
        %dma_start3A_43 = tpu.memref_slice %arg7[%run_scoped3A_34, %dma_start3A] : memref<8x128xi32, #tpu.memory_space<vmem>> -> memref<1x128xi32, #tpu.memory_space<vmem>>
        %dma_start3A_44 = tpu.memref_squeeze %dma_start3A_43 : memref<1x128xi32, #tpu.memory_space<vmem>> -> memref<128xi32, #tpu.memory_space<vmem>>
        %dma_start3A_45 = arith.constant 0 : i32
        %dma_start3A_46 = arith.constant 0 : i32
        %dma_start3A_47 = tpu.memref_slice %arg10[%dma_start3A_45, %dma_start3A_46] : memref<128x128xf32, #tpu.memory_space<vmem_shared>> -> memref<128x128xf32, #tpu.memory_space<vmem_shared>>
        tpu.enqueue_indirect_dma source(%dma_start3A_47 : memref<128x128xf32, #tpu.memory_space<vmem_shared>>) target(%arg8 : memref<128x128xf32, #tpu.memory_space<vmem>>) offsets(%dma_start3A_44 : memref<128xi32, #tpu.memory_space<vmem>>) semaphore(%run_scoped3A_42 : memref<!tpu.dma_semaphore, #tpu.memory_space<semaphore_mem>>)
        %dma_wait3A = arith.constant 0 : i32
        %dma_wait3A_48 = tpu.memref_slice %arg7[%run_scoped3A_34, %dma_wait3A] : memref<8x128xi32, #tpu.memory_space<vmem>> -> memref<1x128xi32, #tpu.memory_space<vmem>>
        %dma_wait3A_49 = tpu.memref_squeeze %dma_wait3A_48 : memref<1x128xi32, #tpu.memory_space<vmem>> -> memref<128xi32, #tpu.memory_space<vmem>>
        %dma_wait3A_50 = arith.constant 0 : i32
        %dma_wait3A_51 = arith.constant 0 : i32
        %dma_wait3A_52 = tpu.memref_slice %arg10[%dma_wait3A_50, %dma_wait3A_51] : memref<128x128xf32, #tpu.memory_space<vmem_shared>> -> memref<128x128xf32, #tpu.memory_space<vmem_shared>>
        tpu.wait_indirect_dma semaphore(%run_scoped3A_42 : memref<!tpu.dma_semaphore, #tpu.memory_space<semaphore_mem>>) src(%dma_wait3A_52 : memref<128x128xf32, #tpu.memory_space<vmem_shared>>) dst(%arg8 : memref<128x128xf32, #tpu.memory_space<vmem>>)
        tpu.yield
      }) : () -> ()
      %run_scoped3A_35 = arith.constant 4 : i32
      "tpu.region"() ({
        %run_scoped3A_42 = tpu.sem_alloc : memref<!tpu.dma_semaphore, #tpu.memory_space<semaphore_mem>>
        %dma_start3A = arith.constant 0 : i32
        %dma_start3A_43 = tpu.memref_slice %arg7[%run_scoped3A_35, %dma_start3A] : memref<8x128xi32, #tpu.memory_space<vmem>> -> memref<1x128xi32, #tpu.memory_space<vmem>>
        %dma_start3A_44 = tpu.memref_squeeze %dma_start3A_43 : memref<1x128xi32, #tpu.memory_space<vmem>> -> memref<128xi32, #tpu.memory_space<vmem>>
        %dma_start3A_45 = arith.constant 0 : i32
        %dma_start3A_46 = arith.constant 0 : i32
        %dma_start3A_47 = tpu.memref_slice %arg11[%dma_start3A_45, %dma_start3A_46] : memref<10240x128xf32, #tpu.memory_space<vmem_shared>> -> memref<10240x128xf32, #tpu.memory_space<vmem_shared>>
        tpu.enqueue_indirect_dma source(%arg8 : memref<128x128xf32, #tpu.memory_space<vmem>>) target(%dma_start3A_47 : memref<10240x128xf32, #tpu.memory_space<vmem_shared>>) offsets(%dma_start3A_44 : memref<128xi32, #tpu.memory_space<vmem>>) semaphore(%run_scoped3A_42 : memref<!tpu.dma_semaphore, #tpu.memory_space<semaphore_mem>>) {add = true}
        %dma_wait3A = arith.constant 0 : i32
        %dma_wait3A_48 = tpu.memref_slice %arg7[%run_scoped3A_35, %dma_wait3A] : memref<8x128xi32, #tpu.memory_space<vmem>> -> memref<1x128xi32, #tpu.memory_space<vmem>>
        %dma_wait3A_49 = tpu.memref_squeeze %dma_wait3A_48 : memref<1x128xi32, #tpu.memory_space<vmem>> -> memref<128xi32, #tpu.memory_space<vmem>>
        %dma_wait3A_50 = arith.constant 0 : i32
        %dma_wait3A_51 = arith.constant 0 : i32
        %dma_wait3A_52 = tpu.memref_slice %arg11[%dma_wait3A_50, %dma_wait3A_51] : memref<10240x128xf32, #tpu.memory_space<vmem_shared>> -> memref<10240x128xf32, #tpu.memory_space<vmem_shared>>
        tpu.wait_indirect_dma semaphore(%run_scoped3A_42 : memref<!tpu.dma_semaphore, #tpu.memory_space<semaphore_mem>>) src(%arg8 : memref<128x128xf32, #tpu.memory_space<vmem>>) dst(%dma_wait3A_52 : memref<10240x128xf32, #tpu.memory_space<vmem_shared>>)
        tpu.yield
      }) : () -> ()
      %run_scoped3A_36 = arith.constant 1 : i32
      "tpu.region"() ({
        %run_scoped3A_42 = tpu.sem_alloc : memref<!tpu.dma_semaphore, #tpu.memory_space<semaphore_mem>>
        %dma_start3A = arith.constant 0 : i32
        %dma_start3A_43 = tpu.memref_slice %arg7[%run_scoped3A_36, %dma_start3A] : memref<8x128xi32, #tpu.memory_space<vmem>> -> memref<1x128xi32, #tpu.memory_space<vmem>>
        %dma_start3A_44 = tpu.memref_squeeze %dma_start3A_43 : memref<1x128xi32, #tpu.memory_space<vmem>> -> memref<128xi32, #tpu.memory_space<vmem>>
        %dma_start3A_45 = arith.constant 0 : i32
        %dma_start3A_46 = arith.constant 0 : i32
        %dma_start3A_47 = tpu.memref_slice %arg10[%dma_start3A_45, %dma_start3A_46] : memref<128x128xf32, #tpu.memory_space<vmem_shared>> -> memref<128x128xf32, #tpu.memory_space<vmem_shared>>
        tpu.enqueue_indirect_dma source(%dma_start3A_47 : memref<128x128xf32, #tpu.memory_space<vmem_shared>>) target(%arg8 : memref<128x128xf32, #tpu.memory_space<vmem>>) offsets(%dma_start3A_44 : memref<128xi32, #tpu.memory_space<vmem>>) semaphore(%run_scoped3A_42 : memref<!tpu.dma_semaphore, #tpu.memory_space<semaphore_mem>>)
        %dma_wait3A = arith.constant 0 : i32
        %dma_wait3A_48 = tpu.memref_slice %arg7[%run_scoped3A_36, %dma_wait3A] : memref<8x128xi32, #tpu.memory_space<vmem>> -> memref<1x128xi32, #tpu.memory_space<vmem>>
        %dma_wait3A_49 = tpu.memref_squeeze %dma_wait3A_48 : memref<1x128xi32, #tpu.memory_space<vmem>> -> memref<128xi32, #tpu.memory_space<vmem>>
        %dma_wait3A_50 = arith.constant 0 : i32
        %dma_wait3A_51 = arith.constant 0 : i32
        %dma_wait3A_52 = tpu.memref_slice %arg10[%dma_wait3A_50, %dma_wait3A_51] : memref<128x128xf32, #tpu.memory_space<vmem_shared>> -> memref<128x128xf32, #tpu.memory_space<vmem_shared>>
        tpu.wait_indirect_dma semaphore(%run_scoped3A_42 : memref<!tpu.dma_semaphore, #tpu.memory_space<semaphore_mem>>) src(%dma_wait3A_52 : memref<128x128xf32, #tpu.memory_space<vmem_shared>>) dst(%arg8 : memref<128x128xf32, #tpu.memory_space<vmem>>)
        tpu.yield
      }) : () -> ()
      %run_scoped3A_37 = arith.constant 5 : i32
      "tpu.region"() ({
        %run_scoped3A_42 = tpu.sem_alloc : memref<!tpu.dma_semaphore, #tpu.memory_space<semaphore_mem>>
        %dma_start3A = arith.constant 0 : i32
        %dma_start3A_43 = tpu.memref_slice %arg7[%run_scoped3A_37, %dma_start3A] : memref<8x128xi32, #tpu.memory_space<vmem>> -> memref<1x128xi32, #tpu.memory_space<vmem>>
        %dma_start3A_44 = tpu.memref_squeeze %dma_start3A_43 : memref<1x128xi32, #tpu.memory_space<vmem>> -> memref<128xi32, #tpu.memory_space<vmem>>
        %dma_start3A_45 = arith.constant 0 : i32
        %dma_start3A_46 = arith.constant 0 : i32
        %dma_start3A_47 = tpu.memref_slice %arg11[%dma_start3A_45, %dma_start3A_46] : memref<10240x128xf32, #tpu.memory_space<vmem_shared>> -> memref<10240x128xf32, #tpu.memory_space<vmem_shared>>
        tpu.enqueue_indirect_dma source(%arg8 : memref<128x128xf32, #tpu.memory_space<vmem>>) target(%dma_start3A_47 : memref<10240x128xf32, #tpu.memory_space<vmem_shared>>) offsets(%dma_start3A_44 : memref<128xi32, #tpu.memory_space<vmem>>) semaphore(%run_scoped3A_42 : memref<!tpu.dma_semaphore, #tpu.memory_space<semaphore_mem>>) {add = true}
        %dma_wait3A = arith.constant 0 : i32
        %dma_wait3A_48 = tpu.memref_slice %arg7[%run_scoped3A_37, %dma_wait3A] : memref<8x128xi32, #tpu.memory_space<vmem>> -> memref<1x128xi32, #tpu.memory_space<vmem>>
        %dma_wait3A_49 = tpu.memref_squeeze %dma_wait3A_48 : memref<1x128xi32, #tpu.memory_space<vmem>> -> memref<128xi32, #tpu.memory_space<vmem>>
        %dma_wait3A_50 = arith.constant 0 : i32
        %dma_wait3A_51 = arith.constant 0 : i32
        %dma_wait3A_52 = tpu.memref_slice %arg11[%dma_wait3A_50, %dma_wait3A_51] : memref<10240x128xf32, #tpu.memory_space<vmem_shared>> -> memref<10240x128xf32, #tpu.memory_space<vmem_shared>>
        tpu.wait_indirect_dma semaphore(%run_scoped3A_42 : memref<!tpu.dma_semaphore, #tpu.memory_space<semaphore_mem>>) src(%arg8 : memref<128x128xf32, #tpu.memory_space<vmem>>) dst(%dma_wait3A_52 : memref<10240x128xf32, #tpu.memory_space<vmem_shared>>)
        tpu.yield
      }) : () -> ()
      %run_scoped3A_38 = arith.constant 2 : i32
      "tpu.region"() ({
        %run_scoped3A_42 = tpu.sem_alloc : memref<!tpu.dma_semaphore, #tpu.memory_space<semaphore_mem>>
        %dma_start3A = arith.constant 0 : i32
        %dma_start3A_43 = tpu.memref_slice %arg7[%run_scoped3A_38, %dma_start3A] : memref<8x128xi32, #tpu.memory_space<vmem>> -> memref<1x128xi32, #tpu.memory_space<vmem>>
        %dma_start3A_44 = tpu.memref_squeeze %dma_start3A_43 : memref<1x128xi32, #tpu.memory_space<vmem>> -> memref<128xi32, #tpu.memory_space<vmem>>
        %dma_start3A_45 = arith.constant 0 : i32
        %dma_start3A_46 = arith.constant 0 : i32
        %dma_start3A_47 = tpu.memref_slice %arg10[%dma_start3A_45, %dma_start3A_46] : memref<128x128xf32, #tpu.memory_space<vmem_shared>> -> memref<128x128xf32, #tpu.memory_space<vmem_shared>>
        tpu.enqueue_indirect_dma source(%dma_start3A_47 : memref<128x128xf32, #tpu.memory_space<vmem_shared>>) target(%arg8 : memref<128x128xf32, #tpu.memory_space<vmem>>) offsets(%dma_start3A_44 : memref<128xi32, #tpu.memory_space<vmem>>) semaphore(%run_scoped3A_42 : memref<!tpu.dma_semaphore, #tpu.memory_space<semaphore_mem>>)
        %dma_wait3A = arith.constant 0 : i32
        %dma_wait3A_48 = tpu.memref_slice %arg7[%run_scoped3A_38, %dma_wait3A] : memref<8x128xi32, #tpu.memory_space<vmem>> -> memref<1x128xi32, #tpu.memory_space<vmem>>
        %dma_wait3A_49 = tpu.memref_squeeze %dma_wait3A_48 : memref<1x128xi32, #tpu.memory_space<vmem>> -> memref<128xi32, #tpu.memory_space<vmem>>
        %dma_wait3A_50 = arith.constant 0 : i32
        %dma_wait3A_51 = arith.constant 0 : i32
        %dma_wait3A_52 = tpu.memref_slice %arg10[%dma_wait3A_50, %dma_wait3A_51] : memref<128x128xf32, #tpu.memory_space<vmem_shared>> -> memref<128x128xf32, #tpu.memory_space<vmem_shared>>
        tpu.wait_indirect_dma semaphore(%run_scoped3A_42 : memref<!tpu.dma_semaphore, #tpu.memory_space<semaphore_mem>>) src(%dma_wait3A_52 : memref<128x128xf32, #tpu.memory_space<vmem_shared>>) dst(%arg8 : memref<128x128xf32, #tpu.memory_space<vmem>>)
        tpu.yield
      }) : () -> ()
      %run_scoped3A_39 = arith.constant 6 : i32
      "tpu.region"() ({
        %run_scoped3A_42 = tpu.sem_alloc : memref<!tpu.dma_semaphore, #tpu.memory_space<semaphore_mem>>
        %dma_start3A = arith.constant 0 : i32
        %dma_start3A_43 = tpu.memref_slice %arg7[%run_scoped3A_39, %dma_start3A] : memref<8x128xi32, #tpu.memory_space<vmem>> -> memref<1x128xi32, #tpu.memory_space<vmem>>
        %dma_start3A_44 = tpu.memref_squeeze %dma_start3A_43 : memref<1x128xi32, #tpu.memory_space<vmem>> -> memref<128xi32, #tpu.memory_space<vmem>>
        %dma_start3A_45 = arith.constant 0 : i32
        %dma_start3A_46 = arith.constant 0 : i32
        %dma_start3A_47 = tpu.memref_slice %arg11[%dma_start3A_45, %dma_start3A_46] : memref<10240x128xf32, #tpu.memory_space<vmem_shared>> -> memref<10240x128xf32, #tpu.memory_space<vmem_shared>>
        tpu.enqueue_indirect_dma source(%arg8 : memref<128x128xf32, #tpu.memory_space<vmem>>) target(%dma_start3A_47 : memref<10240x128xf32, #tpu.memory_space<vmem_shared>>) offsets(%dma_start3A_44 : memref<128xi32, #tpu.memory_space<vmem>>) semaphore(%run_scoped3A_42 : memref<!tpu.dma_semaphore, #tpu.memory_space<semaphore_mem>>) {add = true}
        %dma_wait3A = arith.constant 0 : i32
        %dma_wait3A_48 = tpu.memref_slice %arg7[%run_scoped3A_39, %dma_wait3A] : memref<8x128xi32, #tpu.memory_space<vmem>> -> memref<1x128xi32, #tpu.memory_space<vmem>>
        %dma_wait3A_49 = tpu.memref_squeeze %dma_wait3A_48 : memref<1x128xi32, #tpu.memory_space<vmem>> -> memref<128xi32, #tpu.memory_space<vmem>>
        %dma_wait3A_50 = arith.constant 0 : i32
        %dma_wait3A_51 = arith.constant 0 : i32
        %dma_wait3A_52 = tpu.memref_slice %arg11[%dma_wait3A_50, %dma_wait3A_51] : memref<10240x128xf32, #tpu.memory_space<vmem_shared>> -> memref<10240x128xf32, #tpu.memory_space<vmem_shared>>
        tpu.wait_indirect_dma semaphore(%run_scoped3A_42 : memref<!tpu.dma_semaphore, #tpu.memory_space<semaphore_mem>>) src(%arg8 : memref<128x128xf32, #tpu.memory_space<vmem>>) dst(%dma_wait3A_52 : memref<10240x128xf32, #tpu.memory_space<vmem_shared>>)
        tpu.yield
      }) : () -> ()
      %run_scoped3A_40 = arith.constant 3 : i32
      "tpu.region"() ({
        %run_scoped3A_42 = tpu.sem_alloc : memref<!tpu.dma_semaphore, #tpu.memory_space<semaphore_mem>>
        %dma_start3A = arith.constant 0 : i32
        %dma_start3A_43 = tpu.memref_slice %arg7[%run_scoped3A_40, %dma_start3A] : memref<8x128xi32, #tpu.memory_space<vmem>> -> memref<1x128xi32, #tpu.memory_space<vmem>>
        %dma_start3A_44 = tpu.memref_squeeze %dma_start3A_43 : memref<1x128xi32, #tpu.memory_space<vmem>> -> memref<128xi32, #tpu.memory_space<vmem>>
        %dma_start3A_45 = arith.constant 0 : i32
        %dma_start3A_46 = arith.constant 0 : i32
        %dma_start3A_47 = tpu.memref_slice %arg10[%dma_start3A_45, %dma_start3A_46] : memref<128x128xf32, #tpu.memory_space<vmem_shared>> -> memref<128x128xf32, #tpu.memory_space<vmem_shared>>
        tpu.enqueue_indirect_dma source(%dma_start3A_47 : memref<128x128xf32, #tpu.memory_space<vmem_shared>>) target(%arg8 : memref<128x128xf32, #tpu.memory_space<vmem>>) offsets(%dma_start3A_44 : memref<128xi32, #tpu.memory_space<vmem>>) semaphore(%run_scoped3A_42 : memref<!tpu.dma_semaphore, #tpu.memory_space<semaphore_mem>>)
        %dma_wait3A = arith.constant 0 : i32
        %dma_wait3A_48 = tpu.memref_slice %arg7[%run_scoped3A_40, %dma_wait3A] : memref<8x128xi32, #tpu.memory_space<vmem>> -> memref<1x128xi32, #tpu.memory_space<vmem>>
        %dma_wait3A_49 = tpu.memref_squeeze %dma_wait3A_48 : memref<1x128xi32, #tpu.memory_space<vmem>> -> memref<128xi32, #tpu.memory_space<vmem>>
        %dma_wait3A_50 = arith.constant 0 : i32
        %dma_wait3A_51 = arith.constant 0 : i32
        %dma_wait3A_52 = tpu.memref_slice %arg10[%dma_wait3A_50, %dma_wait3A_51] : memref<128x128xf32, #tpu.memory_space<vmem_shared>> -> memref<128x128xf32, #tpu.memory_space<vmem_shared>>
        tpu.wait_indirect_dma semaphore(%run_scoped3A_42 : memref<!tpu.dma_semaphore, #tpu.memory_space<semaphore_mem>>) src(%dma_wait3A_52 : memref<128x128xf32, #tpu.memory_space<vmem_shared>>) dst(%arg8 : memref<128x128xf32, #tpu.memory_space<vmem>>)
        tpu.yield
      }) : () -> ()
      %run_scoped3A_41 = arith.constant 7 : i32
      "tpu.region"() ({
        %run_scoped3A_42 = tpu.sem_alloc : memref<!tpu.dma_semaphore, #tpu.memory_space<semaphore_mem>>
        %dma_start3A = arith.constant 0 : i32
        %dma_start3A_43 = tpu.memref_slice %arg7[%run_scoped3A_41, %dma_start3A] : memref<8x128xi32, #tpu.memory_space<vmem>> -> memref<1x128xi32, #tpu.memory_space<vmem>>
        %dma_start3A_44 = tpu.memref_squeeze %dma_start3A_43 : memref<1x128xi32, #tpu.memory_space<vmem>> -> memref<128xi32, #tpu.memory_space<vmem>>
        %dma_start3A_45 = arith.constant 0 : i32
        %dma_start3A_46 = arith.constant 0 : i32
        %dma_start3A_47 = tpu.memref_slice %arg11[%dma_start3A_45, %dma_start3A_46] : memref<10240x128xf32, #tpu.memory_space<vmem_shared>> -> memref<10240x128xf32, #tpu.memory_space<vmem_shared>>
        tpu.enqueue_indirect_dma source(%arg8 : memref<128x128xf32, #tpu.memory_space<vmem>>) target(%dma_start3A_47 : memref<10240x128xf32, #tpu.memory_space<vmem_shared>>) offsets(%dma_start3A_44 : memref<128xi32, #tpu.memory_space<vmem>>) semaphore(%run_scoped3A_42 : memref<!tpu.dma_semaphore, #tpu.memory_space<semaphore_mem>>) {add = true}
        %dma_wait3A = arith.constant 0 : i32
        %dma_wait3A_48 = tpu.memref_slice %arg7[%run_scoped3A_41, %dma_wait3A] : memref<8x128xi32, #tpu.memory_space<vmem>> -> memref<1x128xi32, #tpu.memory_space<vmem>>
        %dma_wait3A_49 = tpu.memref_squeeze %dma_wait3A_48 : memref<1x128xi32, #tpu.memory_space<vmem>> -> memref<128xi32, #tpu.memory_space<vmem>>
        %dma_wait3A_50 = arith.constant 0 : i32
        %dma_wait3A_51 = arith.constant 0 : i32
        %dma_wait3A_52 = tpu.memref_slice %arg11[%dma_wait3A_50, %dma_wait3A_51] : memref<10240x128xf32, #tpu.memory_space<vmem_shared>> -> memref<10240x128xf32, #tpu.memory_space<vmem_shared>>
        tpu.wait_indirect_dma semaphore(%run_scoped3A_42 : memref<!tpu.dma_semaphore, #tpu.memory_space<semaphore_mem>>) src(%arg8 : memref<128x128xf32, #tpu.memory_space<vmem>>) dst(%dma_wait3A_52 : memref<10240x128xf32, #tpu.memory_space<vmem_shared>>)
        tpu.yield
      }) : () -> ()
    }
    %scan3A_12 = arith.constant 5 : i32
    %barrier3A_13 = arith.constant 0 : index
    tpu.barrier barrier_id(%barrier3A_13)
    %run_scoped3A = arith.constant 0 : i32
    "tpu.region"() ({
      %run_scoped3A_29 = tpu.sem_alloc : memref<!tpu.dma_semaphore, #tpu.memory_space<semaphore_mem>>
      %dma_start3A = arith.constant 0 : i32
      %dma_start3A_30 = tpu.memref_slice %arg6[%arg0, %run_scoped3A, %mul3A_0, %dma_start3A] : memref<2x2x10240x128xf32, #tpu.memory_space<hbm>> -> memref<1x1x640x128xf32, #tpu.memory_space<hbm>>
      %dma_start3A_31 = tpu.memref_squeeze %dma_start3A_30 : memref<1x1x640x128xf32, #tpu.memory_space<hbm>> -> memref<640x128xf32, #tpu.memory_space<hbm>>
      %dma_start3A_32 = arith.constant 0 : i32
      %dma_start3A_33 = tpu.memref_slice %arg11[%mul3A_0, %dma_start3A_32] : memref<10240x128xf32, #tpu.memory_space<vmem_shared>> -> memref<640x128xf32, #tpu.memory_space<vmem_shared>>
      tpu.enqueue_dma source(%dma_start3A_33 : memref<640x128xf32, #tpu.memory_space<vmem_shared>>) target(%dma_start3A_31 : memref<640x128xf32, #tpu.memory_space<hbm>>) target_semaphore(%run_scoped3A_29 : memref<!tpu.dma_semaphore, #tpu.memory_space<semaphore_mem>>)
      %dma_wait3A = arith.constant 0 : i32
      %dma_wait3A_34 = tpu.memref_slice %arg6[%arg0, %run_scoped3A, %mul3A_0, %dma_wait3A] : memref<2x2x10240x128xf32, #tpu.memory_space<hbm>> -> memref<1x1x640x128xf32, #tpu.memory_space<hbm>>
      %dma_wait3A_35 = tpu.memref_squeeze %dma_wait3A_34 : memref<1x1x640x128xf32, #tpu.memory_space<hbm>> -> memref<640x128xf32, #tpu.memory_space<hbm>>
      %dma_wait3A_36 = arith.constant 0 : i32
      %dma_wait3A_37 = tpu.memref_slice %arg11[%mul3A_0, %dma_wait3A_36] : memref<10240x128xf32, #tpu.memory_space<vmem_shared>> -> memref<640x128xf32, #tpu.memory_space<vmem_shared>>
      tpu.wait_dma2 semaphore(%run_scoped3A_29 : memref<!tpu.dma_semaphore, #tpu.memory_space<semaphore_mem>>) src(%dma_wait3A_37 : memref<640x128xf32, #tpu.memory_space<vmem_shared>>) dst(%dma_wait3A_35 : memref<640x128xf32, #tpu.memory_space<hbm>>)
      tpu.yield
    }) : () -> ()
    %barrier3A_14 = arith.constant 0 : index
    tpu.barrier barrier_id(%barrier3A_14)
    "tpu.region"() ({
      %run_scoped3A_29 = tpu.sem_alloc : memref<!tpu.dma_semaphore, #tpu.memory_space<semaphore_mem>>
      %dma_start3A = arith.constant 0 : i32
      %dma_start3A_30 = tpu.memref_slice %arg11[%mul3A_0, %dma_start3A] : memref<10240x128xf32, #tpu.memory_space<vmem_shared>> -> memref<640x128xf32, #tpu.memory_space<vmem_shared>>
      tpu.enqueue_dma source(%arg5 : memref<640x128xf32, #tpu.memory_space<hbm>>) target(%dma_start3A_30 : memref<640x128xf32, #tpu.memory_space<vmem_shared>>) target_semaphore(%run_scoped3A_29 : memref<!tpu.dma_semaphore, #tpu.memory_space<semaphore_mem>>)
      %dma_wait3A = arith.constant 0 : i32
      %dma_wait3A_31 = tpu.memref_slice %arg11[%mul3A_0, %dma_wait3A] : memref<10240x128xf32, #tpu.memory_space<vmem_shared>> -> memref<640x128xf32, #tpu.memory_space<vmem_shared>>
      tpu.wait_dma2 semaphore(%run_scoped3A_29 : memref<!tpu.dma_semaphore, #tpu.memory_space<semaphore_mem>>) src(%arg5 : memref<640x128xf32, #tpu.memory_space<hbm>>) dst(%dma_wait3A_31 : memref<640x128xf32, #tpu.memory_space<vmem_shared>>)
      tpu.yield
    }) : () -> ()
    %barrier3A_15 = arith.constant 0 : index
    tpu.barrier barrier_id(%barrier3A_15)
    %scan3A_16 = arith.constant 0 : i32
    %scan3A_17 = arith.constant 10 : i32
    %scan3A_18 = arith.addi %scan3A_16, %scan3A_17 : i32
    %scan3A_19 = arith.constant 1 : i32
    scf.for %scan3A_29 = %scan3A_16 to %scan3A_18 step %scan3A_19  : i32 {
      %mul3A_30 = arith.constant 1 : i32
      %mul3A_31 = arith.muli %scan3A_29, %mul3A_30 : i32
      %add3A = arith.constant 0 : i32
      %add3A_32 = arith.addi %add3A, %mul3A_31 : i32
      %run_scoped3A_33 = arith.constant 1 : i32
      "tpu.region"() ({
        %run_scoped3A_92 = tpu.sem_alloc : memref<!tpu.dma_semaphore, #tpu.memory_space<semaphore_mem>>
        %dma_start3A_93 = arith.constant 0 : i32
        %dma_start3A_94 = arith.constant 0 : i32
        %dma_start3A_95 = tpu.memref_slice %arg3[%arg0, %run_scoped3A_33, %arg1, %add3A_32, %dma_start3A_93, %dma_start3A_94] : memref<2x2x16x10x8x128xi32, #tpu.memory_space<hbm>> -> memref<1x1x1x1x8x128xi32, #tpu.memory_space<hbm>>
        %dma_start3A_96 = tpu.memref_squeeze %dma_start3A_95 : memref<1x1x1x1x8x128xi32, #tpu.memory_space<hbm>> -> memref<8x128xi32, #tpu.memory_space<hbm>>
        %dma_start3A_97 = arith.constant 0 : i32
        %dma_start3A_98 = arith.constant 0 : i32
        %dma_start3A_99 = tpu.memref_slice %arg3[%arg0, %run_scoped3A_33, %arg1, %add3A_32, %dma_start3A_97, %dma_start3A_98] : memref<2x2x16x10x8x128xi32, #tpu.memory_space<hbm>> -> memref<1x1x1x1x8x128xi32, #tpu.memory_space<hbm>>
        %dma_start3A_100 = tpu.memref_squeeze %dma_start3A_99 : memref<1x1x1x1x8x128xi32, #tpu.memory_space<hbm>> -> memref<8x128xi32, #tpu.memory_space<hbm>>
        tpu.enqueue_dma source(%dma_start3A_100 : memref<8x128xi32, #tpu.memory_space<hbm>>) target(%arg7 : memref<8x128xi32, #tpu.memory_space<vmem>>) target_semaphore(%run_scoped3A_92 : memref<!tpu.dma_semaphore, #tpu.memory_space<semaphore_mem>>)
        %dma_wait3A_101 = arith.constant 0 : i32
        %dma_wait3A_102 = arith.constant 0 : i32
        %dma_wait3A_103 = tpu.memref_slice %arg3[%arg0, %run_scoped3A_33, %arg1, %add3A_32, %dma_wait3A_101, %dma_wait3A_102] : memref<2x2x16x10x8x128xi32, #tpu.memory_space<hbm>> -> memref<1x1x1x1x8x128xi32, #tpu.memory_space<hbm>>
        %dma_wait3A_104 = tpu.memref_squeeze %dma_wait3A_103 : memref<1x1x1x1x8x128xi32, #tpu.memory_space<hbm>> -> memref<8x128xi32, #tpu.memory_space<hbm>>
        %dma_wait3A_105 = arith.constant 0 : i32
        %dma_wait3A_106 = arith.constant 0 : i32
        %dma_wait3A_107 = tpu.memref_slice %arg3[%arg0, %run_scoped3A_33, %arg1, %add3A_32, %dma_wait3A_105, %dma_wait3A_106] : memref<2x2x16x10x8x128xi32, #tpu.memory_space<hbm>> -> memref<1x1x1x1x8x128xi32, #tpu.memory_space<hbm>>
        %dma_wait3A_108 = tpu.memref_squeeze %dma_wait3A_107 : memref<1x1x1x1x8x128xi32, #tpu.memory_space<hbm>> -> memref<8x128xi32, #tpu.memory_space<hbm>>
        tpu.wait_dma2 semaphore(%run_scoped3A_92 : memref<!tpu.dma_semaphore, #tpu.memory_space<semaphore_mem>>) src(%dma_wait3A_108 : memref<8x128xi32, #tpu.memory_space<hbm>>) dst(%arg7 : memref<8x128xi32, #tpu.memory_space<vmem>>)
        tpu.yield
      }) : () -> ()
      %dma_start3A = arith.constant 0 : i32
      %dma_start3A_34 = arith.constant 0 : i32
      %dma_start3A_35 = tpu.memref_slice %arg7[%dma_start3A, %dma_start3A_34] : memref<8x128xi32, #tpu.memory_space<vmem>> -> memref<1x128xi32, #tpu.memory_space<vmem>>
      %dma_start3A_36 = tpu.memref_squeeze %dma_start3A_35 : memref<1x128xi32, #tpu.memory_space<vmem>> -> memref<128xi32, #tpu.memory_space<vmem>>
      %dma_start3A_37 = arith.constant 0 : i32
      %dma_start3A_38 = arith.constant 0 : i32
      %dma_start3A_39 = tpu.memref_slice %arg2[%dma_start3A_37, %dma_start3A_38] : memref<20128x128xf32, #tpu.memory_space<hbm>> -> memref<20128x128xf32, #tpu.memory_space<hbm>>
      tpu.enqueue_indirect_dma source(%dma_start3A_39 : memref<20128x128xf32, #tpu.memory_space<hbm>>) target(%arg8 : memref<128x128xf32, #tpu.memory_space<vmem>>) offsets(%dma_start3A_36 : memref<128xi32, #tpu.memory_space<vmem>>) semaphore(%arg12 : memref<!tpu.dma_semaphore, #tpu.memory_space<semaphore_mem>>)
      %dma_start3A_40 = arith.constant 1 : i32
      %dma_start3A_41 = arith.constant 0 : i32
      %dma_start3A_42 = tpu.memref_slice %arg7[%dma_start3A_40, %dma_start3A_41] : memref<8x128xi32, #tpu.memory_space<vmem>> -> memref<1x128xi32, #tpu.memory_space<vmem>>
      %dma_start3A_43 = tpu.memref_squeeze %dma_start3A_42 : memref<1x128xi32, #tpu.memory_space<vmem>> -> memref<128xi32, #tpu.memory_space<vmem>>
      %dma_start3A_44 = arith.constant 0 : i32
      %dma_start3A_45 = arith.constant 0 : i32
      %dma_start3A_46 = tpu.memref_slice %arg2[%dma_start3A_44, %dma_start3A_45] : memref<20128x128xf32, #tpu.memory_space<hbm>> -> memref<20128x128xf32, #tpu.memory_space<hbm>>
      tpu.enqueue_indirect_dma source(%dma_start3A_46 : memref<20128x128xf32, #tpu.memory_space<hbm>>) target(%arg9 : memref<128x128xf32, #tpu.memory_space<vmem>>) offsets(%dma_start3A_43 : memref<128xi32, #tpu.memory_space<vmem>>) semaphore(%arg13 : memref<!tpu.dma_semaphore, #tpu.memory_space<semaphore_mem>>)
      %dma_wait3A = arith.constant 0 : i32
      %dma_wait3A_47 = arith.constant 0 : i32
      %dma_wait3A_48 = tpu.memref_slice %arg7[%dma_wait3A, %dma_wait3A_47] : memref<8x128xi32, #tpu.memory_space<vmem>> -> memref<1x128xi32, #tpu.memory_space<vmem>>
      %dma_wait3A_49 = tpu.memref_squeeze %dma_wait3A_48 : memref<1x128xi32, #tpu.memory_space<vmem>> -> memref<128xi32, #tpu.memory_space<vmem>>
      %dma_wait3A_50 = arith.constant 0 : i32
      %dma_wait3A_51 = arith.constant 0 : i32
      %dma_wait3A_52 = tpu.memref_slice %arg2[%dma_wait3A_50, %dma_wait3A_51] : memref<20128x128xf32, #tpu.memory_space<hbm>> -> memref<20128x128xf32, #tpu.memory_space<hbm>>
      tpu.wait_indirect_dma semaphore(%arg12 : memref<!tpu.dma_semaphore, #tpu.memory_space<semaphore_mem>>) src(%dma_wait3A_52 : memref<20128x128xf32, #tpu.memory_space<hbm>>) dst(%arg8 : memref<128x128xf32, #tpu.memory_space<vmem>>)
      %run_scoped3A_53 = arith.constant 4 : i32
      "tpu.region"() ({
        %run_scoped3A_92 = tpu.sem_alloc : memref<!tpu.dma_semaphore, #tpu.memory_space<semaphore_mem>>
        %dma_start3A_93 = arith.constant 0 : i32
        %dma_start3A_94 = tpu.memref_slice %arg7[%run_scoped3A_53, %dma_start3A_93] : memref<8x128xi32, #tpu.memory_space<vmem>> -> memref<1x128xi32, #tpu.memory_space<vmem>>
        %dma_start3A_95 = tpu.memref_squeeze %dma_start3A_94 : memref<1x128xi32, #tpu.memory_space<vmem>> -> memref<128xi32, #tpu.memory_space<vmem>>
        %dma_start3A_96 = arith.constant 0 : i32
        %dma_start3A_97 = arith.constant 0 : i32
        %dma_start3A_98 = tpu.memref_slice %arg11[%dma_start3A_96, %dma_start3A_97] : memref<10240x128xf32, #tpu.memory_space<vmem_shared>> -> memref<10240x128xf32, #tpu.memory_space<vmem_shared>>
        tpu.enqueue_indirect_dma source(%arg8 : memref<128x128xf32, #tpu.memory_space<vmem>>) target(%dma_start3A_98 : memref<10240x128xf32, #tpu.memory_space<vmem_shared>>) offsets(%dma_start3A_95 : memref<128xi32, #tpu.memory_space<vmem>>) semaphore(%run_scoped3A_92 : memref<!tpu.dma_semaphore, #tpu.memory_space<semaphore_mem>>) {add = true}
        %dma_wait3A_99 = arith.constant 0 : i32
        %dma_wait3A_100 = tpu.memref_slice %arg7[%run_scoped3A_53, %dma_wait3A_99] : memref<8x128xi32, #tpu.memory_space<vmem>> -> memref<1x128xi32, #tpu.memory_space<vmem>>
        %dma_wait3A_101 = tpu.memref_squeeze %dma_wait3A_100 : memref<1x128xi32, #tpu.memory_space<vmem>> -> memref<128xi32, #tpu.memory_space<vmem>>
        %dma_wait3A_102 = arith.constant 0 : i32
        %dma_wait3A_103 = arith.constant 0 : i32
        %dma_wait3A_104 = tpu.memref_slice %arg11[%dma_wait3A_102, %dma_wait3A_103] : memref<10240x128xf32, #tpu.memory_space<vmem_shared>> -> memref<10240x128xf32, #tpu.memory_space<vmem_shared>>
        tpu.wait_indirect_dma semaphore(%run_scoped3A_92 : memref<!tpu.dma_semaphore, #tpu.memory_space<semaphore_mem>>) src(%arg8 : memref<128x128xf32, #tpu.memory_space<vmem>>) dst(%dma_wait3A_104 : memref<10240x128xf32, #tpu.memory_space<vmem_shared>>)
        tpu.yield
      }) : () -> ()
      %dma_start3A_54 = arith.constant 2 : i32
      %dma_start3A_55 = arith.constant 0 : i32
      %dma_start3A_56 = tpu.memref_slice %arg7[%dma_start3A_54, %dma_start3A_55] : memref<8x128xi32, #tpu.memory_space<vmem>> -> memref<1x128xi32, #tpu.memory_space<vmem>>
      %dma_start3A_57 = tpu.memref_squeeze %dma_start3A_56 : memref<1x128xi32, #tpu.memory_space<vmem>> -> memref<128xi32, #tpu.memory_space<vmem>>
      %dma_start3A_58 = arith.constant 0 : i32
      %dma_start3A_59 = arith.constant 0 : i32
      %dma_start3A_60 = tpu.memref_slice %arg2[%dma_start3A_58, %dma_start3A_59] : memref<20128x128xf32, #tpu.memory_space<hbm>> -> memref<20128x128xf32, #tpu.memory_space<hbm>>
      tpu.enqueue_indirect_dma source(%dma_start3A_60 : memref<20128x128xf32, #tpu.memory_space<hbm>>) target(%arg8 : memref<128x128xf32, #tpu.memory_space<vmem>>) offsets(%dma_start3A_57 : memref<128xi32, #tpu.memory_space<vmem>>) semaphore(%arg12 : memref<!tpu.dma_semaphore, #tpu.memory_space<semaphore_mem>>)
      %dma_wait3A_61 = arith.constant 1 : i32
      %dma_wait3A_62 = arith.constant 0 : i32
      %dma_wait3A_63 = tpu.memref_slice %arg7[%dma_wait3A_61, %dma_wait3A_62] : memref<8x128xi32, #tpu.memory_space<vmem>> -> memref<1x128xi32, #tpu.memory_space<vmem>>
      %dma_wait3A_64 = tpu.memref_squeeze %dma_wait3A_63 : memref<1x128xi32, #tpu.memory_space<vmem>> -> memref<128xi32, #tpu.memory_space<vmem>>
      %dma_wait3A_65 = arith.constant 0 : i32
      %dma_wait3A_66 = arith.constant 0 : i32
      %dma_wait3A_67 = tpu.memref_slice %arg2[%dma_wait3A_65, %dma_wait3A_66] : memref<20128x128xf32, #tpu.memory_space<hbm>> -> memref<20128x128xf32, #tpu.memory_space<hbm>>
      tpu.wait_indirect_dma semaphore(%arg13 : memref<!tpu.dma_semaphore, #tpu.memory_space<semaphore_mem>>) src(%dma_wait3A_67 : memref<20128x128xf32, #tpu.memory_space<hbm>>) dst(%arg9 : memref<128x128xf32, #tpu.memory_space<vmem>>)
      %run_scoped3A_68 = arith.constant 5 : i32
      "tpu.region"() ({
        %run_scoped3A_92 = tpu.sem_alloc : memref<!tpu.dma_semaphore, #tpu.memory_space<semaphore_mem>>
        %dma_start3A_93 = arith.constant 0 : i32
        %dma_start3A_94 = tpu.memref_slice %arg7[%run_scoped3A_68, %dma_start3A_93] : memref<8x128xi32, #tpu.memory_space<vmem>> -> memref<1x128xi32, #tpu.memory_space<vmem>>
        %dma_start3A_95 = tpu.memref_squeeze %dma_start3A_94 : memref<1x128xi32, #tpu.memory_space<vmem>> -> memref<128xi32, #tpu.memory_space<vmem>>
        %dma_start3A_96 = arith.constant 0 : i32
        %dma_start3A_97 = arith.constant 0 : i32
        %dma_start3A_98 = tpu.memref_slice %arg11[%dma_start3A_96, %dma_start3A_97] : memref<10240x128xf32, #tpu.memory_space<vmem_shared>> -> memref<10240x128xf32, #tpu.memory_space<vmem_shared>>
        tpu.enqueue_indirect_dma source(%arg9 : memref<128x128xf32, #tpu.memory_space<vmem>>) target(%dma_start3A_98 : memref<10240x128xf32, #tpu.memory_space<vmem_shared>>) offsets(%dma_start3A_95 : memref<128xi32, #tpu.memory_space<vmem>>) semaphore(%run_scoped3A_92 : memref<!tpu.dma_semaphore, #tpu.memory_space<semaphore_mem>>) {add = true}
        %dma_wait3A_99 = arith.constant 0 : i32
        %dma_wait3A_100 = tpu.memref_slice %arg7[%run_scoped3A_68, %dma_wait3A_99] : memref<8x128xi32, #tpu.memory_space<vmem>> -> memref<1x128xi32, #tpu.memory_space<vmem>>
        %dma_wait3A_101 = tpu.memref_squeeze %dma_wait3A_100 : memref<1x128xi32, #tpu.memory_space<vmem>> -> memref<128xi32, #tpu.memory_space<vmem>>
        %dma_wait3A_102 = arith.constant 0 : i32
        %dma_wait3A_103 = arith.constant 0 : i32
        %dma_wait3A_104 = tpu.memref_slice %arg11[%dma_wait3A_102, %dma_wait3A_103] : memref<10240x128xf32, #tpu.memory_space<vmem_shared>> -> memref<10240x128xf32, #tpu.memory_space<vmem_shared>>
        tpu.wait_indirect_dma semaphore(%run_scoped3A_92 : memref<!tpu.dma_semaphore, #tpu.memory_space<semaphore_mem>>) src(%arg9 : memref<128x128xf32, #tpu.memory_space<vmem>>) dst(%dma_wait3A_104 : memref<10240x128xf32, #tpu.memory_space<vmem_shared>>)
        tpu.yield
      }) : () -> ()
      %dma_start3A_69 = arith.constant 3 : i32
      %dma_start3A_70 = arith.constant 0 : i32
      %dma_start3A_71 = tpu.memref_slice %arg7[%dma_start3A_69, %dma_start3A_70] : memref<8x128xi32, #tpu.memory_space<vmem>> -> memref<1x128xi32, #tpu.memory_space<vmem>>
      %dma_start3A_72 = tpu.memref_squeeze %dma_start3A_71 : memref<1x128xi32, #tpu.memory_space<vmem>> -> memref<128xi32, #tpu.memory_space<vmem>>
      %dma_start3A_73 = arith.constant 0 : i32
      %dma_start3A_74 = arith.constant 0 : i32
      %dma_start3A_75 = tpu.memref_slice %arg2[%dma_start3A_73, %dma_start3A_74] : memref<20128x128xf32, #tpu.memory_space<hbm>> -> memref<20128x128xf32, #tpu.memory_space<hbm>>
      tpu.enqueue_indirect_dma source(%dma_start3A_75 : memref<20128x128xf32, #tpu.memory_space<hbm>>) target(%arg9 : memref<128x128xf32, #tpu.memory_space<vmem>>) offsets(%dma_start3A_72 : memref<128xi32, #tpu.memory_space<vmem>>) semaphore(%arg13 : memref<!tpu.dma_semaphore, #tpu.memory_space<semaphore_mem>>)
      %dma_wait3A_76 = arith.constant 2 : i32
      %dma_wait3A_77 = arith.constant 0 : i32
      %dma_wait3A_78 = tpu.memref_slice %arg7[%dma_wait3A_76, %dma_wait3A_77] : memref<8x128xi32, #tpu.memory_space<vmem>> -> memref<1x128xi32, #tpu.memory_space<vmem>>
      %dma_wait3A_79 = tpu.memref_squeeze %dma_wait3A_78 : memref<1x128xi32, #tpu.memory_space<vmem>> -> memref<128xi32, #tpu.memory_space<vmem>>
      %dma_wait3A_80 = arith.constant 0 : i32
      %dma_wait3A_81 = arith.constant 0 : i32
      %dma_wait3A_82 = tpu.memref_slice %arg2[%dma_wait3A_80, %dma_wait3A_81] : memref<20128x128xf32, #tpu.memory_space<hbm>> -> memref<20128x128xf32, #tpu.memory_space<hbm>>
      tpu.wait_indirect_dma semaphore(%arg12 : memref<!tpu.dma_semaphore, #tpu.memory_space<semaphore_mem>>) src(%dma_wait3A_82 : memref<20128x128xf32, #tpu.memory_space<hbm>>) dst(%arg8 : memref<128x128xf32, #tpu.memory_space<vmem>>)
      %run_scoped3A_83 = arith.constant 6 : i32
      "tpu.region"() ({
        %run_scoped3A_92 = tpu.sem_alloc : memref<!tpu.dma_semaphore, #tpu.memory_space<semaphore_mem>>
        %dma_start3A_93 = arith.constant 0 : i32
        %dma_start3A_94 = tpu.memref_slice %arg7[%run_scoped3A_83, %dma_start3A_93] : memref<8x128xi32, #tpu.memory_space<vmem>> -> memref<1x128xi32, #tpu.memory_space<vmem>>
        %dma_start3A_95 = tpu.memref_squeeze %dma_start3A_94 : memref<1x128xi32, #tpu.memory_space<vmem>> -> memref<128xi32, #tpu.memory_space<vmem>>
        %dma_start3A_96 = arith.constant 0 : i32
        %dma_start3A_97 = arith.constant 0 : i32
        %dma_start3A_98 = tpu.memref_slice %arg11[%dma_start3A_96, %dma_start3A_97] : memref<10240x128xf32, #tpu.memory_space<vmem_shared>> -> memref<10240x128xf32, #tpu.memory_space<vmem_shared>>
        tpu.enqueue_indirect_dma source(%arg8 : memref<128x128xf32, #tpu.memory_space<vmem>>) target(%dma_start3A_98 : memref<10240x128xf32, #tpu.memory_space<vmem_shared>>) offsets(%dma_start3A_95 : memref<128xi32, #tpu.memory_space<vmem>>) semaphore(%run_scoped3A_92 : memref<!tpu.dma_semaphore, #tpu.memory_space<semaphore_mem>>) {add = true}
        %dma_wait3A_99 = arith.constant 0 : i32
        %dma_wait3A_100 = tpu.memref_slice %arg7[%run_scoped3A_83, %dma_wait3A_99] : memref<8x128xi32, #tpu.memory_space<vmem>> -> memref<1x128xi32, #tpu.memory_space<vmem>>
        %dma_wait3A_101 = tpu.memref_squeeze %dma_wait3A_100 : memref<1x128xi32, #tpu.memory_space<vmem>> -> memref<128xi32, #tpu.memory_space<vmem>>
        %dma_wait3A_102 = arith.constant 0 : i32
        %dma_wait3A_103 = arith.constant 0 : i32
        %dma_wait3A_104 = tpu.memref_slice %arg11[%dma_wait3A_102, %dma_wait3A_103] : memref<10240x128xf32, #tpu.memory_space<vmem_shared>> -> memref<10240x128xf32, #tpu.memory_space<vmem_shared>>
        tpu.wait_indirect_dma semaphore(%run_scoped3A_92 : memref<!tpu.dma_semaphore, #tpu.memory_space<semaphore_mem>>) src(%arg8 : memref<128x128xf32, #tpu.memory_space<vmem>>) dst(%dma_wait3A_104 : memref<10240x128xf32, #tpu.memory_space<vmem_shared>>)
        tpu.yield
      }) : () -> ()
      %dma_wait3A_84 = arith.constant 3 : i32
      %dma_wait3A_85 = arith.constant 0 : i32
      %dma_wait3A_86 = tpu.memref_slice %arg7[%dma_wait3A_84, %dma_wait3A_85] : memref<8x128xi32, #tpu.memory_space<vmem>> -> memref<1x128xi32, #tpu.memory_space<vmem>>
      %dma_wait3A_87 = tpu.memref_squeeze %dma_wait3A_86 : memref<1x128xi32, #tpu.memory_space<vmem>> -> memref<128xi32, #tpu.memory_space<vmem>>
      %dma_wait3A_88 = arith.constant 0 : i32
      %dma_wait3A_89 = arith.constant 0 : i32
      %dma_wait3A_90 = tpu.memref_slice %arg2[%dma_wait3A_88, %dma_wait3A_89] : memref<20128x128xf32, #tpu.memory_space<hbm>> -> memref<20128x128xf32, #tpu.memory_space<hbm>>
      tpu.wait_indirect_dma semaphore(%arg13 : memref<!tpu.dma_semaphore, #tpu.memory_space<semaphore_mem>>) src(%dma_wait3A_90 : memref<20128x128xf32, #tpu.memory_space<hbm>>) dst(%arg9 : memref<128x128xf32, #tpu.memory_space<vmem>>)
      %run_scoped3A_91 = arith.constant 7 : i32
      "tpu.region"() ({
        %run_scoped3A_92 = tpu.sem_alloc : memref<!tpu.dma_semaphore, #tpu.memory_space<semaphore_mem>>
        %dma_start3A_93 = arith.constant 0 : i32
        %dma_start3A_94 = tpu.memref_slice %arg7[%run_scoped3A_91, %dma_start3A_93] : memref<8x128xi32, #tpu.memory_space<vmem>> -> memref<1x128xi32, #tpu.memory_space<vmem>>
        %dma_start3A_95 = tpu.memref_squeeze %dma_start3A_94 : memref<1x128xi32, #tpu.memory_space<vmem>> -> memref<128xi32, #tpu.memory_space<vmem>>
        %dma_start3A_96 = arith.constant 0 : i32
        %dma_start3A_97 = arith.constant 0 : i32
        %dma_start3A_98 = tpu.memref_slice %arg11[%dma_start3A_96, %dma_start3A_97] : memref<10240x128xf32, #tpu.memory_space<vmem_shared>> -> memref<10240x128xf32, #tpu.memory_space<vmem_shared>>
        tpu.enqueue_indirect_dma source(%arg9 : memref<128x128xf32, #tpu.memory_space<vmem>>) target(%dma_start3A_98 : memref<10240x128xf32, #tpu.memory_space<vmem_shared>>) offsets(%dma_start3A_95 : memref<128xi32, #tpu.memory_space<vmem>>) semaphore(%run_scoped3A_92 : memref<!tpu.dma_semaphore, #tpu.memory_space<semaphore_mem>>) {add = true}
        %dma_wait3A_99 = arith.constant 0 : i32
        %dma_wait3A_100 = tpu.memref_slice %arg7[%run_scoped3A_91, %dma_wait3A_99] : memref<8x128xi32, #tpu.memory_space<vmem>> -> memref<1x128xi32, #tpu.memory_space<vmem>>
        %dma_wait3A_101 = tpu.memref_squeeze %dma_wait3A_100 : memref<1x128xi32, #tpu.memory_space<vmem>> -> memref<128xi32, #tpu.memory_space<vmem>>
        %dma_wait3A_102 = arith.constant 0 : i32
        %dma_wait3A_103 = arith.constant 0 : i32
        %dma_wait3A_104 = tpu.memref_slice %arg11[%dma_wait3A_102, %dma_wait3A_103] : memref<10240x128xf32, #tpu.memory_space<vmem_shared>> -> memref<10240x128xf32, #tpu.memory_space<vmem_shared>>
        tpu.wait_indirect_dma semaphore(%run_scoped3A_92 : memref<!tpu.dma_semaphore, #tpu.memory_space<semaphore_mem>>) src(%arg9 : memref<128x128xf32, #tpu.memory_space<vmem>>) dst(%dma_wait3A_104 : memref<10240x128xf32, #tpu.memory_space<vmem_shared>>)
        tpu.yield
      }) : () -> ()
    }
    %scan3A_20 = arith.constant 10 : i32
    %scan3A_21 = arith.constant 0 : i32
    %scan3A_22 = arith.constant 5 : i32
    %scan3A_23 = arith.addi %scan3A_21, %scan3A_22 : i32
    %scan3A_24 = arith.constant 1 : i32
    scf.for %scan3A_29 = %scan3A_21 to %scan3A_23 step %scan3A_24  : i32 {
      %mul3A_30 = arith.constant 1 : i32
      %mul3A_31 = arith.muli %scan3A_29, %mul3A_30 : i32
      %add3A = arith.constant 0 : i32
      %add3A_32 = arith.addi %add3A, %mul3A_31 : i32
      %run_scoped3A_33 = arith.constant 1 : i32
      "tpu.region"() ({
        %run_scoped3A_42 = tpu.sem_alloc : memref<!tpu.dma_semaphore, #tpu.memory_space<semaphore_mem>>
        %dma_start3A = arith.constant 0 : i32
        %dma_start3A_43 = arith.constant 0 : i32
        %dma_start3A_44 = tpu.memref_slice %arg4[%arg0, %run_scoped3A_33, %arg1, %add3A_32, %dma_start3A, %dma_start3A_43] : memref<2x2x16x5x8x128xi32, #tpu.memory_space<hbm>> -> memref<1x1x1x1x8x128xi32, #tpu.memory_space<hbm>>
        %dma_start3A_45 = tpu.memref_squeeze %dma_start3A_44 : memref<1x1x1x1x8x128xi32, #tpu.memory_space<hbm>> -> memref<8x128xi32, #tpu.memory_space<hbm>>
        %dma_start3A_46 = arith.constant 0 : i32
        %dma_start3A_47 = arith.constant 0 : i32
        %dma_start3A_48 = tpu.memref_slice %arg4[%arg0, %run_scoped3A_33, %arg1, %add3A_32, %dma_start3A_46, %dma_start3A_47] : memref<2x2x16x5x8x128xi32, #tpu.memory_space<hbm>> -> memref<1x1x1x1x8x128xi32, #tpu.memory_space<hbm>>
        %dma_start3A_49 = tpu.memref_squeeze %dma_start3A_48 : memref<1x1x1x1x8x128xi32, #tpu.memory_space<hbm>> -> memref<8x128xi32, #tpu.memory_space<hbm>>
        tpu.enqueue_dma source(%dma_start3A_49 : memref<8x128xi32, #tpu.memory_space<hbm>>) target(%arg7 : memref<8x128xi32, #tpu.memory_space<vmem>>) target_semaphore(%run_scoped3A_42 : memref<!tpu.dma_semaphore, #tpu.memory_space<semaphore_mem>>)
        %dma_wait3A = arith.constant 0 : i32
        %dma_wait3A_50 = arith.constant 0 : i32
        %dma_wait3A_51 = tpu.memref_slice %arg4[%arg0, %run_scoped3A_33, %arg1, %add3A_32, %dma_wait3A, %dma_wait3A_50] : memref<2x2x16x5x8x128xi32, #tpu.memory_space<hbm>> -> memref<1x1x1x1x8x128xi32, #tpu.memory_space<hbm>>
        %dma_wait3A_52 = tpu.memref_squeeze %dma_wait3A_51 : memref<1x1x1x1x8x128xi32, #tpu.memory_space<hbm>> -> memref<8x128xi32, #tpu.memory_space<hbm>>
        %dma_wait3A_53 = arith.constant 0 : i32
        %dma_wait3A_54 = arith.constant 0 : i32
        %dma_wait3A_55 = tpu.memref_slice %arg4[%arg0, %run_scoped3A_33, %arg1, %add3A_32, %dma_wait3A_53, %dma_wait3A_54] : memref<2x2x16x5x8x128xi32, #tpu.memory_space<hbm>> -> memref<1x1x1x1x8x128xi32, #tpu.memory_space<hbm>>
        %dma_wait3A_56 = tpu.memref_squeeze %dma_wait3A_55 : memref<1x1x1x1x8x128xi32, #tpu.memory_space<hbm>> -> memref<8x128xi32, #tpu.memory_space<hbm>>
        tpu.wait_dma2 semaphore(%run_scoped3A_42 : memref<!tpu.dma_semaphore, #tpu.memory_space<semaphore_mem>>) src(%dma_wait3A_56 : memref<8x128xi32, #tpu.memory_space<hbm>>) dst(%arg7 : memref<8x128xi32, #tpu.memory_space<vmem>>)
        tpu.yield
      }) : () -> ()
      %run_scoped3A_34 = arith.constant 0 : i32
      "tpu.region"() ({
        %run_scoped3A_42 = tpu.sem_alloc : memref<!tpu.dma_semaphore, #tpu.memory_space<semaphore_mem>>
        %dma_start3A = arith.constant 0 : i32
        %dma_start3A_43 = tpu.memref_slice %arg7[%run_scoped3A_34, %dma_start3A] : memref<8x128xi32, #tpu.memory_space<vmem>> -> memref<1x128xi32, #tpu.memory_space<vmem>>
        %dma_start3A_44 = tpu.memref_squeeze %dma_start3A_43 : memref<1x128xi32, #tpu.memory_space<vmem>> -> memref<128xi32, #tpu.memory_space<vmem>>
        %dma_start3A_45 = arith.constant 0 : i32
        %dma_start3A_46 = arith.constant 0 : i32
        %dma_start3A_47 = tpu.memref_slice %arg10[%dma_start3A_45, %dma_start3A_46] : memref<128x128xf32, #tpu.memory_space<vmem_shared>> -> memref<128x128xf32, #tpu.memory_space<vmem_shared>>
        tpu.enqueue_indirect_dma source(%dma_start3A_47 : memref<128x128xf32, #tpu.memory_space<vmem_shared>>) target(%arg8 : memref<128x128xf32, #tpu.memory_space<vmem>>) offsets(%dma_start3A_44 : memref<128xi32, #tpu.memory_space<vmem>>) semaphore(%run_scoped3A_42 : memref<!tpu.dma_semaphore, #tpu.memory_space<semaphore_mem>>)
        %dma_wait3A = arith.constant 0 : i32
        %dma_wait3A_48 = tpu.memref_slice %arg7[%run_scoped3A_34, %dma_wait3A] : memref<8x128xi32, #tpu.memory_space<vmem>> -> memref<1x128xi32, #tpu.memory_space<vmem>>
        %dma_wait3A_49 = tpu.memref_squeeze %dma_wait3A_48 : memref<1x128xi32, #tpu.memory_space<vmem>> -> memref<128xi32, #tpu.memory_space<vmem>>
        %dma_wait3A_50 = arith.constant 0 : i32
        %dma_wait3A_51 = arith.constant 0 : i32
        %dma_wait3A_52 = tpu.memref_slice %arg10[%dma_wait3A_50, %dma_wait3A_51] : memref<128x128xf32, #tpu.memory_space<vmem_shared>> -> memref<128x128xf32, #tpu.memory_space<vmem_shared>>
        tpu.wait_indirect_dma semaphore(%run_scoped3A_42 : memref<!tpu.dma_semaphore, #tpu.memory_space<semaphore_mem>>) src(%dma_wait3A_52 : memref<128x128xf32, #tpu.memory_space<vmem_shared>>) dst(%arg8 : memref<128x128xf32, #tpu.memory_space<vmem>>)
        tpu.yield
      }) : () -> ()
      %run_scoped3A_35 = arith.constant 4 : i32
      "tpu.region"() ({
        %run_scoped3A_42 = tpu.sem_alloc : memref<!tpu.dma_semaphore, #tpu.memory_space<semaphore_mem>>
        %dma_start3A = arith.constant 0 : i32
        %dma_start3A_43 = tpu.memref_slice %arg7[%run_scoped3A_35, %dma_start3A] : memref<8x128xi32, #tpu.memory_space<vmem>> -> memref<1x128xi32, #tpu.memory_space<vmem>>
        %dma_start3A_44 = tpu.memref_squeeze %dma_start3A_43 : memref<1x128xi32, #tpu.memory_space<vmem>> -> memref<128xi32, #tpu.memory_space<vmem>>
        %dma_start3A_45 = arith.constant 0 : i32
        %dma_start3A_46 = arith.constant 0 : i32
        %dma_start3A_47 = tpu.memref_slice %arg11[%dma_start3A_45, %dma_start3A_46] : memref<10240x128xf32, #tpu.memory_space<vmem_shared>> -> memref<10240x128xf32, #tpu.memory_space<vmem_shared>>
        tpu.enqueue_indirect_dma source(%arg8 : memref<128x128xf32, #tpu.memory_space<vmem>>) target(%dma_start3A_47 : memref<10240x128xf32, #tpu.memory_space<vmem_shared>>) offsets(%dma_start3A_44 : memref<128xi32, #tpu.memory_space<vmem>>) semaphore(%run_scoped3A_42 : memref<!tpu.dma_semaphore, #tpu.memory_space<semaphore_mem>>) {add = true}
        %dma_wait3A = arith.constant 0 : i32
        %dma_wait3A_48 = tpu.memref_slice %arg7[%run_scoped3A_35, %dma_wait3A] : memref<8x128xi32, #tpu.memory_space<vmem>> -> memref<1x128xi32, #tpu.memory_space<vmem>>
        %dma_wait3A_49 = tpu.memref_squeeze %dma_wait3A_48 : memref<1x128xi32, #tpu.memory_space<vmem>> -> memref<128xi32, #tpu.memory_space<vmem>>
        %dma_wait3A_50 = arith.constant 0 : i32
        %dma_wait3A_51 = arith.constant 0 : i32
        %dma_wait3A_52 = tpu.memref_slice %arg11[%dma_wait3A_50, %dma_wait3A_51] : memref<10240x128xf32, #tpu.memory_space<vmem_shared>> -> memref<10240x128xf32, #tpu.memory_space<vmem_shared>>
        tpu.wait_indirect_dma semaphore(%run_scoped3A_42 : memref<!tpu.dma_semaphore, #tpu.memory_space<semaphore_mem>>) src(%arg8 : memref<128x128xf32, #tpu.memory_space<vmem>>) dst(%dma_wait3A_52 : memref<10240x128xf32, #tpu.memory_space<vmem_shared>>)
        tpu.yield
      }) : () -> ()
      %run_scoped3A_36 = arith.constant 1 : i32
      "tpu.region"() ({
        %run_scoped3A_42 = tpu.sem_alloc : memref<!tpu.dma_semaphore, #tpu.memory_space<semaphore_mem>>
        %dma_start3A = arith.constant 0 : i32
        %dma_start3A_43 = tpu.memref_slice %arg7[%run_scoped3A_36, %dma_start3A] : memref<8x128xi32, #tpu.memory_space<vmem>> -> memref<1x128xi32, #tpu.memory_space<vmem>>
        %dma_start3A_44 = tpu.memref_squeeze %dma_start3A_43 : memref<1x128xi32, #tpu.memory_space<vmem>> -> memref<128xi32, #tpu.memory_space<vmem>>
        %dma_start3A_45 = arith.constant 0 : i32
        %dma_start3A_46 = arith.constant 0 : i32
        %dma_start3A_47 = tpu.memref_slice %arg10[%dma_start3A_45, %dma_start3A_46] : memref<128x128xf32, #tpu.memory_space<vmem_shared>> -> memref<128x128xf32, #tpu.memory_space<vmem_shared>>
        tpu.enqueue_indirect_dma source(%dma_start3A_47 : memref<128x128xf32, #tpu.memory_space<vmem_shared>>) target(%arg8 : memref<128x128xf32, #tpu.memory_space<vmem>>) offsets(%dma_start3A_44 : memref<128xi32, #tpu.memory_space<vmem>>) semaphore(%run_scoped3A_42 : memref<!tpu.dma_semaphore, #tpu.memory_space<semaphore_mem>>)
        %dma_wait3A = arith.constant 0 : i32
        %dma_wait3A_48 = tpu.memref_slice %arg7[%run_scoped3A_36, %dma_wait3A] : memref<8x128xi32, #tpu.memory_space<vmem>> -> memref<1x128xi32, #tpu.memory_space<vmem>>
        %dma_wait3A_49 = tpu.memref_squeeze %dma_wait3A_48 : memref<1x128xi32, #tpu.memory_space<vmem>> -> memref<128xi32, #tpu.memory_space<vmem>>
        %dma_wait3A_50 = arith.constant 0 : i32
        %dma_wait3A_51 = arith.constant 0 : i32
        %dma_wait3A_52 = tpu.memref_slice %arg10[%dma_wait3A_50, %dma_wait3A_51] : memref<128x128xf32, #tpu.memory_space<vmem_shared>> -> memref<128x128xf32, #tpu.memory_space<vmem_shared>>
        tpu.wait_indirect_dma semaphore(%run_scoped3A_42 : memref<!tpu.dma_semaphore, #tpu.memory_space<semaphore_mem>>) src(%dma_wait3A_52 : memref<128x128xf32, #tpu.memory_space<vmem_shared>>) dst(%arg8 : memref<128x128xf32, #tpu.memory_space<vmem>>)
        tpu.yield
      }) : () -> ()
      %run_scoped3A_37 = arith.constant 5 : i32
      "tpu.region"() ({
        %run_scoped3A_42 = tpu.sem_alloc : memref<!tpu.dma_semaphore, #tpu.memory_space<semaphore_mem>>
        %dma_start3A = arith.constant 0 : i32
        %dma_start3A_43 = tpu.memref_slice %arg7[%run_scoped3A_37, %dma_start3A] : memref<8x128xi32, #tpu.memory_space<vmem>> -> memref<1x128xi32, #tpu.memory_space<vmem>>
        %dma_start3A_44 = tpu.memref_squeeze %dma_start3A_43 : memref<1x128xi32, #tpu.memory_space<vmem>> -> memref<128xi32, #tpu.memory_space<vmem>>
        %dma_start3A_45 = arith.constant 0 : i32
        %dma_start3A_46 = arith.constant 0 : i32
        %dma_start3A_47 = tpu.memref_slice %arg11[%dma_start3A_45, %dma_start3A_46] : memref<10240x128xf32, #tpu.memory_space<vmem_shared>> -> memref<10240x128xf32, #tpu.memory_space<vmem_shared>>
        tpu.enqueue_indirect_dma source(%arg8 : memref<128x128xf32, #tpu.memory_space<vmem>>) target(%dma_start3A_47 : memref<10240x128xf32, #tpu.memory_space<vmem_shared>>) offsets(%dma_start3A_44 : memref<128xi32, #tpu.memory_space<vmem>>) semaphore(%run_scoped3A_42 : memref<!tpu.dma_semaphore, #tpu.memory_space<semaphore_mem>>) {add = true}
        %dma_wait3A = arith.constant 0 : i32
        %dma_wait3A_48 = tpu.memref_slice %arg7[%run_scoped3A_37, %dma_wait3A] : memref<8x128xi32, #tpu.memory_space<vmem>> -> memref<1x128xi32, #tpu.memory_space<vmem>>
        %dma_wait3A_49 = tpu.memref_squeeze %dma_wait3A_48 : memref<1x128xi32, #tpu.memory_space<vmem>> -> memref<128xi32, #tpu.memory_space<vmem>>
        %dma_wait3A_50 = arith.constant 0 : i32
        %dma_wait3A_51 = arith.constant 0 : i32
        %dma_wait3A_52 = tpu.memref_slice %arg11[%dma_wait3A_50, %dma_wait3A_51] : memref<10240x128xf32, #tpu.memory_space<vmem_shared>> -> memref<10240x128xf32, #tpu.memory_space<vmem_shared>>
        tpu.wait_indirect_dma semaphore(%run_scoped3A_42 : memref<!tpu.dma_semaphore, #tpu.memory_space<semaphore_mem>>) src(%arg8 : memref<128x128xf32, #tpu.memory_space<vmem>>) dst(%dma_wait3A_52 : memref<10240x128xf32, #tpu.memory_space<vmem_shared>>)
        tpu.yield
      }) : () -> ()
      %run_scoped3A_38 = arith.constant 2 : i32
      "tpu.region"() ({
        %run_scoped3A_42 = tpu.sem_alloc : memref<!tpu.dma_semaphore, #tpu.memory_space<semaphore_mem>>
        %dma_start3A = arith.constant 0 : i32
        %dma_start3A_43 = tpu.memref_slice %arg7[%run_scoped3A_38, %dma_start3A] : memref<8x128xi32, #tpu.memory_space<vmem>> -> memref<1x128xi32, #tpu.memory_space<vmem>>
        %dma_start3A_44 = tpu.memref_squeeze %dma_start3A_43 : memref<1x128xi32, #tpu.memory_space<vmem>> -> memref<128xi32, #tpu.memory_space<vmem>>
        %dma_start3A_45 = arith.constant 0 : i32
        %dma_start3A_46 = arith.constant 0 : i32
        %dma_start3A_47 = tpu.memref_slice %arg10[%dma_start3A_45, %dma_start3A_46] : memref<128x128xf32, #tpu.memory_space<vmem_shared>> -> memref<128x128xf32, #tpu.memory_space<vmem_shared>>
        tpu.enqueue_indirect_dma source(%dma_start3A_47 : memref<128x128xf32, #tpu.memory_space<vmem_shared>>) target(%arg8 : memref<128x128xf32, #tpu.memory_space<vmem>>) offsets(%dma_start3A_44 : memref<128xi32, #tpu.memory_space<vmem>>) semaphore(%run_scoped3A_42 : memref<!tpu.dma_semaphore, #tpu.memory_space<semaphore_mem>>)
        %dma_wait3A = arith.constant 0 : i32
        %dma_wait3A_48 = tpu.memref_slice %arg7[%run_scoped3A_38, %dma_wait3A] : memref<8x128xi32, #tpu.memory_space<vmem>> -> memref<1x128xi32, #tpu.memory_space<vmem>>
        %dma_wait3A_49 = tpu.memref_squeeze %dma_wait3A_48 : memref<1x128xi32, #tpu.memory_space<vmem>> -> memref<128xi32, #tpu.memory_space<vmem>>
        %dma_wait3A_50 = arith.constant 0 : i32
        %dma_wait3A_51 = arith.constant 0 : i32
        %dma_wait3A_52 = tpu.memref_slice %arg10[%dma_wait3A_50, %dma_wait3A_51] : memref<128x128xf32, #tpu.memory_space<vmem_shared>> -> memref<128x128xf32, #tpu.memory_space<vmem_shared>>
        tpu.wait_indirect_dma semaphore(%run_scoped3A_42 : memref<!tpu.dma_semaphore, #tpu.memory_space<semaphore_mem>>) src(%dma_wait3A_52 : memref<128x128xf32, #tpu.memory_space<vmem_shared>>) dst(%arg8 : memref<128x128xf32, #tpu.memory_space<vmem>>)
        tpu.yield
      }) : () -> ()
      %run_scoped3A_39 = arith.constant 6 : i32
      "tpu.region"() ({
        %run_scoped3A_42 = tpu.sem_alloc : memref<!tpu.dma_semaphore, #tpu.memory_space<semaphore_mem>>
        %dma_start3A = arith.constant 0 : i32
        %dma_start3A_43 = tpu.memref_slice %arg7[%run_scoped3A_39, %dma_start3A] : memref<8x128xi32, #tpu.memory_space<vmem>> -> memref<1x128xi32, #tpu.memory_space<vmem>>
        %dma_start3A_44 = tpu.memref_squeeze %dma_start3A_43 : memref<1x128xi32, #tpu.memory_space<vmem>> -> memref<128xi32, #tpu.memory_space<vmem>>
        %dma_start3A_45 = arith.constant 0 : i32
        %dma_start3A_46 = arith.constant 0 : i32
        %dma_start3A_47 = tpu.memref_slice %arg11[%dma_start3A_45, %dma_start3A_46] : memref<10240x128xf32, #tpu.memory_space<vmem_shared>> -> memref<10240x128xf32, #tpu.memory_space<vmem_shared>>
        tpu.enqueue_indirect_dma source(%arg8 : memref<128x128xf32, #tpu.memory_space<vmem>>) target(%dma_start3A_47 : memref<10240x128xf32, #tpu.memory_space<vmem_shared>>) offsets(%dma_start3A_44 : memref<128xi32, #tpu.memory_space<vmem>>) semaphore(%run_scoped3A_42 : memref<!tpu.dma_semaphore, #tpu.memory_space<semaphore_mem>>) {add = true}
        %dma_wait3A = arith.constant 0 : i32
        %dma_wait3A_48 = tpu.memref_slice %arg7[%run_scoped3A_39, %dma_wait3A] : memref<8x128xi32, #tpu.memory_space<vmem>> -> memref<1x128xi32, #tpu.memory_space<vmem>>
        %dma_wait3A_49 = tpu.memref_squeeze %dma_wait3A_48 : memref<1x128xi32, #tpu.memory_space<vmem>> -> memref<128xi32, #tpu.memory_space<vmem>>
        %dma_wait3A_50 = arith.constant 0 : i32
        %dma_wait3A_51 = arith.constant 0 : i32
        %dma_wait3A_52 = tpu.memref_slice %arg11[%dma_wait3A_50, %dma_wait3A_51] : memref<10240x128xf32, #tpu.memory_space<vmem_shared>> -> memref<10240x128xf32, #tpu.memory_space<vmem_shared>>
        tpu.wait_indirect_dma semaphore(%run_scoped3A_42 : memref<!tpu.dma_semaphore, #tpu.memory_space<semaphore_mem>>) src(%arg8 : memref<128x128xf32, #tpu.memory_space<vmem>>) dst(%dma_wait3A_52 : memref<10240x128xf32, #tpu.memory_space<vmem_shared>>)
        tpu.yield
      }) : () -> ()
      %run_scoped3A_40 = arith.constant 3 : i32
      "tpu.region"() ({
        %run_scoped3A_42 = tpu.sem_alloc : memref<!tpu.dma_semaphore, #tpu.memory_space<semaphore_mem>>
        %dma_start3A = arith.constant 0 : i32
        %dma_start3A_43 = tpu.memref_slice %arg7[%run_scoped3A_40, %dma_start3A] : memref<8x128xi32, #tpu.memory_space<vmem>> -> memref<1x128xi32, #tpu.memory_space<vmem>>
        %dma_start3A_44 = tpu.memref_squeeze %dma_start3A_43 : memref<1x128xi32, #tpu.memory_space<vmem>> -> memref<128xi32, #tpu.memory_space<vmem>>
        %dma_start3A_45 = arith.constant 0 : i32
        %dma_start3A_46 = arith.constant 0 : i32
        %dma_start3A_47 = tpu.memref_slice %arg10[%dma_start3A_45, %dma_start3A_46] : memref<128x128xf32, #tpu.memory_space<vmem_shared>> -> memref<128x128xf32, #tpu.memory_space<vmem_shared>>
        tpu.enqueue_indirect_dma source(%dma_start3A_47 : memref<128x128xf32, #tpu.memory_space<vmem_shared>>) target(%arg8 : memref<128x128xf32, #tpu.memory_space<vmem>>) offsets(%dma_start3A_44 : memref<128xi32, #tpu.memory_space<vmem>>) semaphore(%run_scoped3A_42 : memref<!tpu.dma_semaphore, #tpu.memory_space<semaphore_mem>>)
        %dma_wait3A = arith.constant 0 : i32
        %dma_wait3A_48 = tpu.memref_slice %arg7[%run_scoped3A_40, %dma_wait3A] : memref<8x128xi32, #tpu.memory_space<vmem>> -> memref<1x128xi32, #tpu.memory_space<vmem>>
        %dma_wait3A_49 = tpu.memref_squeeze %dma_wait3A_48 : memref<1x128xi32, #tpu.memory_space<vmem>> -> memref<128xi32, #tpu.memory_space<vmem>>
        %dma_wait3A_50 = arith.constant 0 : i32
        %dma_wait3A_51 = arith.constant 0 : i32
        %dma_wait3A_52 = tpu.memref_slice %arg10[%dma_wait3A_50, %dma_wait3A_51] : memref<128x128xf32, #tpu.memory_space<vmem_shared>> -> memref<128x128xf32, #tpu.memory_space<vmem_shared>>
        tpu.wait_indirect_dma semaphore(%run_scoped3A_42 : memref<!tpu.dma_semaphore, #tpu.memory_space<semaphore_mem>>) src(%dma_wait3A_52 : memref<128x128xf32, #tpu.memory_space<vmem_shared>>) dst(%arg8 : memref<128x128xf32, #tpu.memory_space<vmem>>)
        tpu.yield
      }) : () -> ()
      %run_scoped3A_41 = arith.constant 7 : i32
      "tpu.region"() ({
        %run_scoped3A_42 = tpu.sem_alloc : memref<!tpu.dma_semaphore, #tpu.memory_space<semaphore_mem>>
        %dma_start3A = arith.constant 0 : i32
        %dma_start3A_43 = tpu.memref_slice %arg7[%run_scoped3A_41, %dma_start3A] : memref<8x128xi32, #tpu.memory_space<vmem>> -> memref<1x128xi32, #tpu.memory_space<vmem>>
        %dma_start3A_44 = tpu.memref_squeeze %dma_start3A_43 : memref<1x128xi32, #tpu.memory_space<vmem>> -> memref<128xi32, #tpu.memory_space<vmem>>
        %dma_start3A_45 = arith.constant 0 : i32
        %dma_start3A_46 = arith.constant 0 : i32
        %dma_start3A_47 = tpu.memref_slice %arg11[%dma_start3A_45, %dma_start3A_46] : memref<10240x128xf32, #tpu.memory_space<vmem_shared>> -> memref<10240x128xf32, #tpu.memory_space<vmem_shared>>
        tpu.enqueue_indirect_dma source(%arg8 : memref<128x128xf32, #tpu.memory_space<vmem>>) target(%dma_start3A_47 : memref<10240x128xf32, #tpu.memory_space<vmem_shared>>) offsets(%dma_start3A_44 : memref<128xi32, #tpu.memory_space<vmem>>) semaphore(%run_scoped3A_42 : memref<!tpu.dma_semaphore, #tpu.memory_space<semaphore_mem>>) {add = true}
        %dma_wait3A = arith.constant 0 : i32
        %dma_wait3A_48 = tpu.memref_slice %arg7[%run_scoped3A_41, %dma_wait3A] : memref<8x128xi32, #tpu.memory_space<vmem>> -> memref<1x128xi32, #tpu.memory_space<vmem>>
        %dma_wait3A_49 = tpu.memref_squeeze %dma_wait3A_48 : memref<1x128xi32, #tpu.memory_space<vmem>> -> memref<128xi32, #tpu.memory_space<vmem>>
        %dma_wait3A_50 = arith.constant 0 : i32
        %dma_wait3A_51 = arith.constant 0 : i32
        %dma_wait3A_52 = tpu.memref_slice %arg11[%dma_wait3A_50, %dma_wait3A_51] : memref<10240x128xf32, #tpu.memory_space<vmem_shared>> -> memref<10240x128xf32, #tpu.memory_space<vmem_shared>>
        tpu.wait_indirect_dma semaphore(%run_scoped3A_42 : memref<!tpu.dma_semaphore, #tpu.memory_space<semaphore_mem>>) src(%arg8 : memref<128x128xf32, #tpu.memory_space<vmem>>) dst(%dma_wait3A_52 : memref<10240x128xf32, #tpu.memory_space<vmem_shared>>)
        tpu.yield
      }) : () -> ()
    }
    %scan3A_25 = arith.constant 5 : i32
    %barrier3A_26 = arith.constant 0 : index
    tpu.barrier barrier_id(%barrier3A_26)
    %run_scoped3A_27 = arith.constant 1 : i32
    "tpu.region"() ({
      %run_scoped3A_29 = tpu.sem_alloc : memref<!tpu.dma_semaphore, #tpu.memory_space<semaphore_mem>>
      %dma_start3A = arith.constant 0 : i32
      %dma_start3A_30 = tpu.memref_slice %arg6[%arg0, %run_scoped3A_27, %mul3A_0, %dma_start3A] : memref<2x2x10240x128xf32, #tpu.memory_space<hbm>> -> memref<1x1x640x128xf32, #tpu.memory_space<hbm>>
      %dma_start3A_31 = tpu.memref_squeeze %dma_start3A_30 : memref<1x1x640x128xf32, #tpu.memory_space<hbm>> -> memref<640x128xf32, #tpu.memory_space<hbm>>
      %dma_start3A_32 = arith.constant 0 : i32
      %dma_start3A_33 = tpu.memref_slice %arg11[%mul3A_0, %dma_start3A_32] : memref<10240x128xf32, #tpu.memory_space<vmem_shared>> -> memref<640x128xf32, #tpu.memory_space<vmem_shared>>
      tpu.enqueue_dma source(%dma_start3A_33 : memref<640x128xf32, #tpu.memory_space<vmem_shared>>) target(%dma_start3A_31 : memref<640x128xf32, #tpu.memory_space<hbm>>) target_semaphore(%run_scoped3A_29 : memref<!tpu.dma_semaphore, #tpu.memory_space<semaphore_mem>>)
      %dma_wait3A = arith.constant 0 : i32
      %dma_wait3A_34 = tpu.memref_slice %arg6[%arg0, %run_scoped3A_27, %mul3A_0, %dma_wait3A] : memref<2x2x10240x128xf32, #tpu.memory_space<hbm>> -> memref<1x1x640x128xf32, #tpu.memory_space<hbm>>
      %dma_wait3A_35 = tpu.memref_squeeze %dma_wait3A_34 : memref<1x1x640x128xf32, #tpu.memory_space<hbm>> -> memref<640x128xf32, #tpu.memory_space<hbm>>
      %dma_wait3A_36 = arith.constant 0 : i32
      %dma_wait3A_37 = tpu.memref_slice %arg11[%mul3A_0, %dma_wait3A_36] : memref<10240x128xf32, #tpu.memory_space<vmem_shared>> -> memref<640x128xf32, #tpu.memory_space<vmem_shared>>
      tpu.wait_dma2 semaphore(%run_scoped3A_29 : memref<!tpu.dma_semaphore, #tpu.memory_space<semaphore_mem>>) src(%dma_wait3A_37 : memref<640x128xf32, #tpu.memory_space<vmem_shared>>) dst(%dma_wait3A_35 : memref<640x128xf32, #tpu.memory_space<hbm>>)
      tpu.yield
    }) : () -> ()
    %barrier3A_28 = arith.constant 0 : index
    tpu.barrier barrier_id(%barrier3A_28)
    return
  }
}

module attributes {stable_mosaic.version = 14 : i64} {
  func.func @_tc_body(%arg0: i32, %arg1: memref<1000x256xf32, #tpu.memory_space<vmem>>, %arg2: memref<2x2x1000x128xf32, #tpu.memory_space<vmem>>, %arg3: memref<2x2x1x1x1000xf32, #tpu.memory_space<vmem>>, %arg4: memref<2x256x256xf32, #tpu.memory_space<vmem>>, %arg5: memref<2x256xf32, #tpu.memory_space<vmem>>, %arg6: memref<256x256xf32, #tpu.memory_space<vmem>>, %arg7: memref<256xf32, #tpu.memory_space<vmem>>, %arg8: memref<1000x256xf32, #tpu.memory_space<vmem>>) attributes {dimension_semantics = [#tpu.dimension_semantics<arbitrary>], iteration_bounds = array<i64: 10>, scalar_prefetch = 0 : i64, scratch_operands = 0 : i64, tpu.core_type = #tpu.core_type<tc>, window_params = [{transform_indices = @transform_0, window_bounds = array<i64: 1000, 256>}, {transform_indices = @transform_1, window_bounds = array<i64: 2, 2, 1000, 128>}, {transform_indices = @transform_2, window_bounds = array<i64: 2, 2, 1, 1, 1000>}, {pipeline_mode = #tpu.pipeline_mode<synchronous>, transform_indices = @transform_3, window_bounds = array<i64: 2, 256, 256>}, {pipeline_mode = #tpu.pipeline_mode<synchronous>, transform_indices = @transform_4, window_bounds = array<i64: 2, 256>}, {pipeline_mode = #tpu.pipeline_mode<synchronous>, transform_indices = @transform_5, window_bounds = array<i64: 256, 256>}, {pipeline_mode = #tpu.pipeline_mode<synchronous>, transform_indices = @transform_6, window_bounds = array<i64: 256>}, {transform_indices = @transform_7, window_bounds = array<i64: 1000, 256>}]} {
    %get3A = arith.constant 0 : index
    %get3A_0 = arith.constant 0 : index
    %get3A_1 = vector.load %arg1[%get3A, %get3A_0] : memref<1000x256xf32, #tpu.memory_space<vmem>>, vector<1000x256xf32>
    %get3A_2 = arith.constant 0 : index
    %get3A_3 = arith.constant 0 : index
    %get3A_4 = vector.load %arg6[%get3A_2, %get3A_3] : memref<256x256xf32, #tpu.memory_space<vmem>>, vector<256x256xf32>
    %dot_general3A = arith.constant dense<0.000000e+00> : vector<1000x256xf32>
    %dot_general3A_5 = tpu.matmul %get3A_1, %get3A_4, %dot_general3A {dimension_numbers = #tpu.dot_dimension_numbers<[1], [0], [0], [1], [0, 0, 1, 1], [], []>, transpose_lhs_hint = false} : vector<1000x256xf32>, vector<256x256xf32>, vector<1000x256xf32> -> vector<1000x256xf32>
    %get3A_6 = arith.constant 0 : index
    %get3A_7 = vector.load %arg7[%get3A_6] : memref<256xf32, #tpu.memory_space<vmem>>, vector<256xf32>
    %broadcast_in_dim3A = vector.shape_cast %get3A_7 : vector<256xf32> to vector<1x256xf32>
    %add3A = vector.broadcast %broadcast_in_dim3A : vector<1x256xf32> to vector<1000x256xf32>
    %add3A_8 = arith.addf %dot_general3A_5, %add3A : vector<1000x256xf32>
    %get3A_9 = arith.constant 0 : index
    %get3A_10 = arith.constant 0 : index
    %get3A_11 = arith.constant 0 : index
    %get3A_12 = arith.constant 0 : index
    %get3A_13 = vector.load %arg2[%get3A_9, %get3A_10, %get3A_11, %get3A_12] : memref<2x2x1000x128xf32, #tpu.memory_space<vmem>>, vector<1x1x1000x128xf32>
    %get3A_14 = vector.shape_cast %get3A_13 : vector<1x1x1000x128xf32> to vector<1000x128xf32>
    %get3A_15 = arith.constant 0 : index
    %get3A_16 = arith.constant 0 : index
    %get3A_17 = arith.constant 0 : index
    %get3A_18 = vector.load %arg4[%get3A_15, %get3A_16, %get3A_17] : memref<2x256x256xf32, #tpu.memory_space<vmem>>, vector<1x256x256xf32>
    %get3A_19 = vector.shape_cast %get3A_18 : vector<1x256x256xf32> to vector<256x256xf32>
    %slice3A = vector.extract_strided_slice %get3A_19 {offsets = [0, 0], sizes = [128, 256], strides = [1, 1]} : vector<256x256xf32> to vector<128x256xf32>
    %dot_general3A_20 = arith.constant dense<0.000000e+00> : vector<1000x256xf32>
    %dot_general3A_21 = tpu.matmul %get3A_14, %slice3A, %dot_general3A_20 {dimension_numbers = #tpu.dot_dimension_numbers<[1], [0], [0], [1], [0, 0, 1, 1], [], []>, transpose_lhs_hint = false} : vector<1000x128xf32>, vector<128x256xf32>, vector<1000x256xf32> -> vector<1000x256xf32>
    %add3A_22 = arith.addf %add3A_8, %dot_general3A_21 : vector<1000x256xf32>
    %get3A_23 = arith.constant 1 : index
    %get3A_24 = arith.constant 0 : index
    %get3A_25 = arith.constant 0 : index
    %get3A_26 = arith.constant 0 : index
    %get3A_27 = vector.load %arg2[%get3A_23, %get3A_24, %get3A_25, %get3A_26] : memref<2x2x1000x128xf32, #tpu.memory_space<vmem>>, vector<1x1x1000x128xf32>
    %get3A_28 = vector.shape_cast %get3A_27 : vector<1x1x1000x128xf32> to vector<1000x128xf32>
    %get3A_29 = arith.constant 0 : index
    %get3A_30 = arith.constant 0 : index
    %get3A_31 = arith.constant 0 : index
    %get3A_32 = vector.load %arg4[%get3A_29, %get3A_30, %get3A_31] : memref<2x256x256xf32, #tpu.memory_space<vmem>>, vector<1x256x256xf32>
    %get3A_33 = vector.shape_cast %get3A_32 : vector<1x256x256xf32> to vector<256x256xf32>
    %slice3A_34 = vector.extract_strided_slice %get3A_33 {offsets = [128, 0], sizes = [128, 256], strides = [1, 1]} : vector<256x256xf32> to vector<128x256xf32>
    %dot_general3A_35 = arith.constant dense<0.000000e+00> : vector<1000x256xf32>
    %dot_general3A_36 = tpu.matmul %get3A_28, %slice3A_34, %dot_general3A_35 {dimension_numbers = #tpu.dot_dimension_numbers<[1], [0], [0], [1], [0, 0, 1, 1], [], []>, transpose_lhs_hint = false} : vector<1000x128xf32>, vector<128x256xf32>, vector<1000x256xf32> -> vector<1000x256xf32>
    %add3A_37 = arith.addf %add3A_22, %dot_general3A_36 : vector<1000x256xf32>
    %get3A_38 = arith.constant 0 : index
    %get3A_39 = arith.constant 0 : index
    %get3A_40 = arith.constant 0 : index
    %get3A_41 = arith.constant 0 : index
    %get3A_42 = arith.constant 0 : index
    %get3A_43 = vector.load %arg3[%get3A_38, %get3A_39, %get3A_40, %get3A_41, %get3A_42] : memref<2x2x1x1x1000xf32, #tpu.memory_space<vmem>>, vector<1x1x1x1x1000xf32>
    %get3A_44 = vector.shape_cast %get3A_43 : vector<1x1x1x1x1000xf32> to vector<1000xf32>
    %get3A_45 = arith.constant 1 : index
    %get3A_46 = arith.constant 0 : index
    %get3A_47 = arith.constant 0 : index
    %get3A_48 = arith.constant 0 : index
    %get3A_49 = arith.constant 0 : index
    %get3A_50 = vector.load %arg3[%get3A_45, %get3A_46, %get3A_47, %get3A_48, %get3A_49] : memref<2x2x1x1x1000xf32, #tpu.memory_space<vmem>>, vector<1x1x1x1x1000xf32>
    %get3A_51 = vector.shape_cast %get3A_50 : vector<1x1x1x1x1000xf32> to vector<1000xf32>
    %add3A_52 = arith.addf %get3A_44, %get3A_51 : vector<1000xf32>
    %broadcast_in_dim3A_53 = vector.shape_cast %add3A_52 : vector<1000xf32> to vector<1000x1xf32>
    %get3A_54 = arith.constant 0 : index
    %get3A_55 = arith.constant 0 : index
    %get3A_56 = vector.load %arg5[%get3A_54, %get3A_55] : memref<2x256xf32, #tpu.memory_space<vmem>>, vector<1x256xf32>
    %get3A_57 = vector.shape_cast %get3A_56 : vector<1x256xf32> to vector<256xf32>
    %broadcast_in_dim3A_58 = vector.shape_cast %get3A_57 : vector<256xf32> to vector<1x256xf32>
    %mul3A = vector.broadcast %broadcast_in_dim3A_53 : vector<1000x1xf32> to vector<1000x256xf32>
    %mul3A_59 = vector.broadcast %broadcast_in_dim3A_58 : vector<1x256xf32> to vector<1000x256xf32>
    %mul3A_60 = arith.mulf %mul3A, %mul3A_59 : vector<1000x256xf32>
    %add3A_61 = arith.addf %add3A_37, %mul3A_60 : vector<1000x256xf32>
    %get3A_62 = arith.constant 0 : index
    %get3A_63 = arith.constant 1 : index
    %get3A_64 = arith.constant 0 : index
    %get3A_65 = arith.constant 0 : index
    %get3A_66 = vector.load %arg2[%get3A_62, %get3A_63, %get3A_64, %get3A_65] : memref<2x2x1000x128xf32, #tpu.memory_space<vmem>>, vector<1x1x1000x128xf32>
    %get3A_67 = vector.shape_cast %get3A_66 : vector<1x1x1000x128xf32> to vector<1000x128xf32>
    %get3A_68 = arith.constant 1 : index
    %get3A_69 = arith.constant 0 : index
    %get3A_70 = arith.constant 0 : index
    %get3A_71 = vector.load %arg4[%get3A_68, %get3A_69, %get3A_70] : memref<2x256x256xf32, #tpu.memory_space<vmem>>, vector<1x256x256xf32>
    %get3A_72 = vector.shape_cast %get3A_71 : vector<1x256x256xf32> to vector<256x256xf32>
    %slice3A_73 = vector.extract_strided_slice %get3A_72 {offsets = [0, 0], sizes = [128, 256], strides = [1, 1]} : vector<256x256xf32> to vector<128x256xf32>
    %dot_general3A_74 = arith.constant dense<0.000000e+00> : vector<1000x256xf32>
    %dot_general3A_75 = tpu.matmul %get3A_67, %slice3A_73, %dot_general3A_74 {dimension_numbers = #tpu.dot_dimension_numbers<[1], [0], [0], [1], [0, 0, 1, 1], [], []>, transpose_lhs_hint = false} : vector<1000x128xf32>, vector<128x256xf32>, vector<1000x256xf32> -> vector<1000x256xf32>
    %add3A_76 = arith.addf %add3A_61, %dot_general3A_75 : vector<1000x256xf32>
    %get3A_77 = arith.constant 1 : index
    %get3A_78 = arith.constant 1 : index
    %get3A_79 = arith.constant 0 : index
    %get3A_80 = arith.constant 0 : index
    %get3A_81 = vector.load %arg2[%get3A_77, %get3A_78, %get3A_79, %get3A_80] : memref<2x2x1000x128xf32, #tpu.memory_space<vmem>>, vector<1x1x1000x128xf32>
    %get3A_82 = vector.shape_cast %get3A_81 : vector<1x1x1000x128xf32> to vector<1000x128xf32>
    %get3A_83 = arith.constant 1 : index
    %get3A_84 = arith.constant 0 : index
    %get3A_85 = arith.constant 0 : index
    %get3A_86 = vector.load %arg4[%get3A_83, %get3A_84, %get3A_85] : memref<2x256x256xf32, #tpu.memory_space<vmem>>, vector<1x256x256xf32>
    %get3A_87 = vector.shape_cast %get3A_86 : vector<1x256x256xf32> to vector<256x256xf32>
    %slice3A_88 = vector.extract_strided_slice %get3A_87 {offsets = [128, 0], sizes = [128, 256], strides = [1, 1]} : vector<256x256xf32> to vector<128x256xf32>
    %dot_general3A_89 = arith.constant dense<0.000000e+00> : vector<1000x256xf32>
    %dot_general3A_90 = tpu.matmul %get3A_82, %slice3A_88, %dot_general3A_89 {dimension_numbers = #tpu.dot_dimension_numbers<[1], [0], [0], [1], [0, 0, 1, 1], [], []>, transpose_lhs_hint = false} : vector<1000x128xf32>, vector<128x256xf32>, vector<1000x256xf32> -> vector<1000x256xf32>
    %add3A_91 = arith.addf %add3A_76, %dot_general3A_90 : vector<1000x256xf32>
    %get3A_92 = arith.constant 0 : index
    %get3A_93 = arith.constant 1 : index
    %get3A_94 = arith.constant 0 : index
    %get3A_95 = arith.constant 0 : index
    %get3A_96 = arith.constant 0 : index
    %get3A_97 = vector.load %arg3[%get3A_92, %get3A_93, %get3A_94, %get3A_95, %get3A_96] : memref<2x2x1x1x1000xf32, #tpu.memory_space<vmem>>, vector<1x1x1x1x1000xf32>
    %get3A_98 = vector.shape_cast %get3A_97 : vector<1x1x1x1x1000xf32> to vector<1000xf32>
    %get3A_99 = arith.constant 1 : index
    %get3A_100 = arith.constant 1 : index
    %get3A_101 = arith.constant 0 : index
    %get3A_102 = arith.constant 0 : index
    %get3A_103 = arith.constant 0 : index
    %get3A_104 = vector.load %arg3[%get3A_99, %get3A_100, %get3A_101, %get3A_102, %get3A_103] : memref<2x2x1x1x1000xf32, #tpu.memory_space<vmem>>, vector<1x1x1x1x1000xf32>
    %get3A_105 = vector.shape_cast %get3A_104 : vector<1x1x1x1x1000xf32> to vector<1000xf32>
    %add3A_106 = arith.addf %get3A_98, %get3A_105 : vector<1000xf32>
    %broadcast_in_dim3A_107 = vector.shape_cast %add3A_106 : vector<1000xf32> to vector<1000x1xf32>
    %get3A_108 = arith.constant 1 : index
    %get3A_109 = arith.constant 0 : index
    %get3A_110 = vector.load %arg5[%get3A_108, %get3A_109] : memref<2x256xf32, #tpu.memory_space<vmem>>, vector<1x256xf32>
    %get3A_111 = vector.shape_cast %get3A_110 : vector<1x256xf32> to vector<256xf32>
    %broadcast_in_dim3A_112 = vector.shape_cast %get3A_111 : vector<256xf32> to vector<1x256xf32>
    %mul3A_113 = vector.broadcast %broadcast_in_dim3A_107 : vector<1000x1xf32> to vector<1000x256xf32>
    %mul3A_114 = vector.broadcast %broadcast_in_dim3A_112 : vector<1x256xf32> to vector<1000x256xf32>
    %mul3A_115 = arith.mulf %mul3A_113, %mul3A_114 : vector<1000x256xf32>
    %add3A_116 = arith.addf %add3A_91, %mul3A_115 : vector<1000x256xf32>
    %swap3A = arith.constant 0 : index
    %swap3A_117 = arith.constant 0 : index
    %swap3A_118 = vector.load %arg8[%swap3A, %swap3A_117] : memref<1000x256xf32, #tpu.memory_space<vmem>>, vector<1000x256xf32>
    tpu.vector_store %arg8[%swap3A, %swap3A_117], %add3A_116 {strides = array<i32>} : memref<1000x256xf32, #tpu.memory_space<vmem>>, vector<1000x256xf32>,
    return
  }
  func.func @transform_0(%arg0: i32) -> (i32, i32) {
    %c0_i32 = arith.constant 0 : i32
    %c0_i32_0 = arith.constant 0 : i32
    return %arg0, %c0_i32 : i32, i32
  }
  func.func @transform_1(%arg0: i32) -> (i32, i32, i32, i32) {
    %c0_i32 = arith.constant 0 : i32
    %c0_i32_0 = arith.constant 0 : i32
    %c0_i32_1 = arith.constant 0 : i32
    %c0_i32_2 = arith.constant 0 : i32
    return %c0_i32, %c0_i32_0, %arg0, %c0_i32_1 : i32, i32, i32, i32
  }
  func.func @transform_2(%arg0: i32) -> (i32, i32, i32, i32, i32) {
    %c0_i32 = arith.constant 0 : i32
    %c0_i32_0 = arith.constant 0 : i32
    %c0_i32_1 = arith.constant 0 : i32
    %c0_i32_2 = arith.constant 0 : i32
    %c0_i32_3 = arith.constant 0 : i32
    return %c0_i32, %c0_i32_0, %arg0, %c0_i32_1, %c0_i32_2 : i32, i32, i32, i32, i32
  }
  func.func @transform_3(%arg0: i32) -> (i32, i32, i32) {
    %c0_i32 = arith.constant 0 : i32
    %c0_i32_0 = arith.constant 0 : i32
    %c0_i32_1 = arith.constant 0 : i32
    %c0_i32_2 = arith.constant 0 : i32
    return %c0_i32, %c0_i32_0, %c0_i32_1 : i32, i32, i32
  }
  func.func @transform_4(%arg0: i32) -> (i32, i32) {
    %c0_i32 = arith.constant 0 : i32
    %c0_i32_0 = arith.constant 0 : i32
    %c0_i32_1 = arith.constant 0 : i32
    return %c0_i32, %c0_i32_0 : i32, i32
  }
  func.func @transform_5(%arg0: i32) -> (i32, i32) {
    %c0_i32 = arith.constant 0 : i32
    %c0_i32_0 = arith.constant 0 : i32
    %c0_i32_1 = arith.constant 0 : i32
    return %c0_i32, %c0_i32_0 : i32, i32
  }
  func.func @transform_6(%arg0: i32) -> i32 {
    %c0_i32 = arith.constant 0 : i32
    %c0_i32_0 = arith.constant 0 : i32
    return %c0_i32 : i32
  }
  func.func @transform_7(%arg0: i32) -> (i32, i32) {
    %c0_i32 = arith.constant 0 : i32
    %c0_i32_0 = arith.constant 0 : i32
    return %arg0, %c0_i32 : i32, i32
  }
}

</mosaic_0001>

<sc_bundles>
// kernel: kernel.4.cloned.1.call-start
scs
__scs_entry_jumppad:
0x0: {  	(pc) =	sbr.rel $0x88, $3  }
0x1: {  	(tag) =	ssettag $0x0;
	lr =	simm.s32 $0x1  }
0x2: {  	[smem:$0x3F98] =	sst lr;
	_ =	strace $0xD0000000  }
0x3: {  	_ = 	snop  }
0x4: {  	_ = 	snop  }
0x5: {  	_ = 	snop  }
0x6: {  	_ = 	snop  }
0x7: {  	_ = 	snop  }
__scs_overlays_trampoline_lowered:
0x8: {  	[smem:$0x3FA7] =	sst s0  }
0x9: {  	[smem:$0x3FA8] =	sst s1  }
0xa: {  	[smem:$0x3FA9] =	sst s2  }
0xb: {  	[smem:$0x3FAA] =	sst s3  }
0xc: {  	[smem:$0x3FAB] =	sst s4  }
0xd: {  	[smem:$0x3FAC] =	sst s5  }
0xe: {  	[smem:$0x3FAD] =	sst s6  }
0xf: {  	[smem:$0x3FAE] =	sst s7  }
0x10: {  	[smem:$0x3FAF] =	sst s8  }
0x11: {  	[smem:$0x3FB0] =	sst s9;
	s0 =	simm.s32 @!p0 $0x0  }
0x12: {  	s1 =	sld [smem:$0x3F96];
	s0 =	simm.s32 @p0 $0x1  }
0x13: {  	[smem:$0x3FB1] =	sst s0;
	s0 =	simm.s32 @!p1 $0x0  }
0x14: {  	s2 =	sld [smem:$0x3F95];
	s0 =	simm.s32 @p1 $0x1  }
0x15: {  	[smem:$0x3FB2] =	sst s0;
	s0 =	simm.s32 @!p2 $0x0  }
0x16: {  	s3 =	sld [smem:$0x3FDB];
	s0 =	simm.s32 @p2 $0x1  }
0x17: {  	s4 =	simm.s32 $0x1BF5;
	[smem:$0x3FB4] =	sst s0  }
0x18: {  	s0 =	sld [smem:$0x3F97];
	_ =	swait.ge [sflag:s4], $0x0  }
0x19: {  	s7 =	sld [smem:$0x3F98]  }
0x1a: {  	s8 =	sadd.s32 $0xFFFFE003, lr  }
0x1b: {  	s9 =	sadd.s32 $0xFFFFFEF7, lr;
	s5 =	simm.s32 $0xFFFFFFFF;
	p2 =	slt.u32 s8, $0xFFFFF086  }
0x1c: {  	p1 =	slt.u32 s9, $0xF7A;
	s5 =	simm.s32 @!p2 $0x0  }
0x1d: {  	s5 =	simm.s32 @p1 $0x1;
	p0 =	seq.s32 s7, s2  }
0x1e: {  	s7 =	smul.u32 @!p0 $0xF7A, s2;
	p2 =	seq.s32 @!p0 s5, $0x0  }
0x1f: {  	s9 =	smul.u32 $0xF7A, s1;
	s8 =	simm.s32 @!p0 $0x1BF5;
	p2 =	por !p2, p0  }
0x20: {  	[sflag:s8] =	ssyncset.s32 @!p0 $0xFFFFF086;
	s6 =	sadd.s32 @!p0 s3, s7;
	s7 =	simm.s32 @!p0 $0x108  }
0x21: {  	s3 =	sadd.s32 s3, s9;
	s6 =	sadd.s32 @!p0 $0x88, s6;
	s7 =	simm.s32 @p2 $0x1082  }
0x22: {  	[simem:s7], [sflag:s8] =	dma.local @!p0 [hbm:s6], $0xF7A  }
0x23: {  	s9 =	sor.u32 $0xD0000000, s2;
	s6 =	simm.s32 $0x108;
	_ =	swait.ge @!p0 [sflag:s8], $0x0  }
0x24: {  	s3 =	sadd.s32 $0x88, s3;
	s6 =	simm.s32 @!p1 $0x1082;
	[sflag:s4] =	ssyncset.s32 $0xFFFFF086  }
0x25: {  	[simem:s6], [sflag:s4] =	dma.local [hbm:s3], $0xF7A  }
0x26: {  	[smem:$0x3F98] =	sst s1;
	(tag) =	ssettag s2;
	_ =	strace s9  }
0x27: {  	s1 =	sld [smem:$0x3FA8]  }
0x28: {  	s2 =	sld [smem:$0x3FA9]  }
0x29: {  	s4 =	sld [smem:$0x3FAB]  }
0x2a: {  	p0 =	seq.s32 s5, $0x0;
	s5 =	sld [smem:$0x3FAC]  }
0x2b: {  	s6 =	sld [smem:$0x3FAD]  }
0x2c: {  	s7 =	sld [smem:$0x3FAE]  }
0x2d: {  	s3 =	simm.s32 $0x108;
	s8 =	sld [smem:$0x3FAF]  }
0x2e: {  	s3 =	simm.s32 @!p0 $0x1082;
	s9 =	sld [smem:$0x3FB0]  }
0x2f: {  	lr =	sadd.s32 s0, s3;
	s0 =	sld [smem:$0x3FA7]  }
0x30: {  	s3 =	sld [smem:$0x3FAA]  }
0x31: {  	[smem:$0x3FB3] =	sst s10  }
0x32: {  	s10 =	sld [smem:$0x3FB1];
	_ =	sdelay $0x3  }
0x33: {  	p0 =	seq.s32 s10, $0x1;
	s10 =	sld [smem:$0x3FB3];
	_ =	sdelay $0x3  }
0x34: {  	[smem:$0x3FB3] =	sst s10  }
0x35: {  	s10 =	sld [smem:$0x3FB2];
	_ =	sdelay $0x3  }
0x36: {  	p1 =	seq.s32 s10, $0x1;
	s10 =	sld [smem:$0x3FB3];
	_ =	sdelay $0x3  }
0x37: {  	[smem:$0x3FB3] =	sst s10  }
0x38: {  	s10 =	sld [smem:$0x3FB4]  }
0x39: {  	_ = 	snop;
	(pc) =	sbr.ind lr, $3  }
0x3a: {  	_ = 	snop  }
0x3b: {  	_ = 	snop  }
0x3c: {  	p2 =	seq.s32 s10, $0x1;
	s10 =	sld [smem:$0x3FB3]  }
0x3d: {  	_ =	shalt  }
0x3e: {  	_ =	shalt  }
0x3f: {  	_ =	shalt  }
0x40: {  	_ =	shalt  }
0x41: {  	_ =	shalt  }
0x42: {  	_ =	shalt  }
0x43: {  	_ =	shalt  }
0x44: {  	_ =	shalt  }
0x45: {  	_ =	shalt  }
0x46: {  	_ =	shalt  }
0x47: {  	_ =	shalt  }
0x48: {  	_ =	shalt  }
0x49: {  	_ =	shalt  }
0x4a: {  	_ =	shalt  }
0x4b: {  	_ =	shalt  }
0x4c: {  	_ =	shalt  }
0x4d: {  	_ =	shalt  }
0x4e: {  	_ =	shalt  }
0x4f: {  	_ =	shalt  }
0x50: {  	_ =	shalt  }
0x51: {  	_ =	shalt  }
0x52: {  	_ =	shalt  }
0x53: {  	_ =	shalt  }
0x54: {  	_ =	shalt  }
0x55: {  	_ =	shalt  }
0x56: {  	_ =	shalt  }
0x57: {  	_ =	shalt  }
0x58: {  	_ =	shalt  }
0x59: {  	_ =	shalt  }
0x5a: {  	_ =	shalt  }
0x5b: {  	_ =	shalt  }
0x5c: {  	_ =	shalt  }
0x5d: {  	_ =	shalt  }
0x5e: {  	_ =	shalt  }
0x5f: {  	_ =	shalt  }
0x60: {  	_ =	shalt  }
0x61: {  	_ =	shalt  }
0x62: {  	_ =	shalt  }
0x63: {  	_ =	shalt  }
0x64: {  	_ =	shalt  }
0x65: {  	_ =	shalt  }
0x66: {  	_ =	shalt  }
0x67: {  	_ =	shalt  }
0x68: {  	_ =	shalt  }
0x69: {  	_ =	shalt  }
0x6a: {  	_ =	shalt  }
0x6b: {  	_ =	shalt  }
0x6c: {  	_ =	shalt  }
0x6d: {  	_ =	shalt  }
0x6e: {  	_ =	shalt  }
0x6f: {  	_ =	shalt  }
0x70: {  	_ =	shalt  }
0x71: {  	_ =	shalt  }
0x72: {  	_ =	shalt  }
0x73: {  	_ =	shalt  }
0x74: {  	_ =	shalt  }
0x75: {  	_ =	shalt  }
0x76: {  	_ =	shalt  }
0x77: {  	_ =	shalt  }
0x78: {  	_ =	shalt  }
0x79: {  	_ =	shalt  }
0x7a: {  	_ =	shalt  }
0x7b: {  	_ =	shalt  }
0x7c: {  	_ =	shalt  }
0x7d: {  	_ =	shalt  }
0x7e: {  	_ =	shalt  }
0x7f: {  	_ =	shalt  }
0x80: {  	_ =	shalt  }
0x81: {  	_ =	shalt  }
0x82: {  	_ =	shalt  }
0x83: {  	_ =	shalt  }
0x84: {  	_ =	shalt  }
0x85: {  	_ =	shalt  }
0x86: {  	_ =	shalt  }
0x87: {  	_ =	shalt  }
.Lfunc_end0:
.L_simem_size_0:
called_computation_lowered:
.L_overlay_start_0:
0x88: {  	s2 =	sld [smem:$0x3FD9]  }
0x89: {  	s3 =	sld [smem:$0x3FFE];
	_ =	sdelay $0x1  }
0x8a: {  	s1 =	srdreg.scid  }
0x8b: {  	s0 =	sand.u32 $0x1, s1  }
0x8c: {  	s17 =	sshll.u32 s0, $0xA;
	s2 =	sadd.s32 s3, s2  }
0x8d: {  	s2 =	sadd.s32 s2, s17  }
0x8e: {  	[smem:$0x3FBF] =	sst s2  }
0x8f: {  	_ = 	snop  }
0x90: {  	s2 =	sld [smem:$0x3FD0];
	(tm) =	ssettm $0x1  }
0x91: {  	s18 =	sld [smem:$0x3FFB];
	_ =	sdelay $0x3  }
0x92: {  	_ =	strace s18  }
0x93: {  	s3 =	sld [smem:$0x3FFC];
	_ =	sdelay $0x3  }
0x94: {  	_ =	strace s3  }
0x95: {  	s3 =	sld [smem:$0x3FFD];
	_ =	sdelay $0x3  }
0x96: {  	_ =	strace s3  }
0x97: {  	_ =	strace $0x8FFFFFFF  }
0x98: {  	s19 =	sld [smem:$0x3FDB];
	_ =	sdelay $0x1  }
0x99: {  	s4 =	simm.s32 $_scs_section_size  }
0x9a: {  	s5 =	simm.s32 $_size__tile_overlayer_lowered;
	s6 =	simm.s32 $_tile_overlayer_lowered  }
0x9b: {  	s22 =	simm.s32 $0x1BFF;
	s21 =	sshll.u32 s6, $0x1;
	s3 =	sadd.s32 s4, s19  }
0x9c: {  	s7 =	simm.s32 $0x0;
	s20 =	sshll.u32 s5, $0x1;
	s5 =	sadd.s32 s21, s3  }
0x9d: {  	[timem:s7], [sflag:s22] =	dma.local [hbm:s5], s20  }
0x9e: {  	_ =	swait.ge [sflag:s22], s20  }
0x9f: {  	s4 =	ssub.s32 $0x0, s20;
	[sflag:s22] =	ssyncset.done $0x0  }
0xa0: {  	[sflag:s22] =	ssyncadd.s32 s4;
	_ =	sdelay $0x1  }
0xa1: {  	s23 =	simm.s32 $0x1B8B  }
0xa2: {  	_ =	swait.ge [sflag:s23], $0x1  }
0xa3: {  	[sflag:s23] =	ssyncset.done $0x0  }
0xa4: {  	s25 =	simm.s32 $0x1B8E;
	s24 =	sld [smem:$0x3FFE];
	[sflag:s23] =	ssyncadd.s32 $0xFFFFFFFF  }
0xa5: {  	s26 =	simm.s32 $execute0_lowered;
	[smem:$0x3FD2] =	sst s25  }
0xa6: {  	s5 =	sshll.u32 s26, $0x1;
	_ =	strace $0x80000046;
	[dreg:$0x1] =	wrdreg $0xFFFFFFFF  }
0xa7: {  	s28 =	simm.s32 $_size_execute0_lowered;
	s3 =	sadd.s32 s3, s5;
	[dreg:$0x0] =	wrdreg $0x0  }
0xa8: {  	s5 =	sshll.u32 s28, $0x1;
	[dreg:$0x2] =	wrdreg s3  }
0xa9: {  	[dreg:$0x3] =	wrdreg s5  }
0xaa: {  	[dreg:$0x4] =	wrdreg $0xC0  }
0xab: {  	_ =	task [dreg:s7], $0x5FFFF  }
0xac: {  	[dreg:$0x1] =	wrdreg $0xFFFFFFFF  }
0xad: {  	[dreg:$0x0] =	wrdreg $0x60  }
0xae: {  	[dreg:$0x2] =	wrdreg s24  }
0xaf: {  	[dreg:$0x3] =	wrdreg s2  }
0xb0: {  	[dreg:$0x4] =	wrdreg $0x84000  }
0xb1: {  	[dreg:$0x5] =	wrdreg $0x88000  }
0xb2: {  	[dreg:$0x6] =	wrdreg $0x9  }
0xb3: {  	_ =	task.clear_ibuf [dreg:s7], $0x7FFFF;
	_ =	strace $0x90000046  }
0xb4: {  	s29 =	simm.s32 $0x9;
	_ =	strace $0x80000048  }
0xb5: {  	_ =	swait.ge [sflag:s29], $0x1  }
0xb6: {  	[sflag:s29] =	ssyncadd.s32 $0xFFFFFFFF  }
0xb7: {  	_ =	strace $0x90000048  }
0xb8: {  	_ =	sfence  }
0xb9: {  	s30 =	sld [smem:$0x0];
	_ =	sdelay $0x2  }
0xba: {  	s31 =	sshll.u32 s1, $0xD;
	s1 =	sshrl.u32 s1, $0x2  }
0xbb: {  	s3 =	sand.u32 $0x4000, s31;
	s1 =	sadd.s32 s1, s30  }
0xbc: {  	s0 =	sor.u32 s3, s0;
	s1 =	sshll.u32 s1, $0x11  }
0xbd: {  	s0 =	sor.u32 s1, s0  }
0xbe: {  	s0 =	sadd.s32 $0x8F2B, s0  }
0xbf: {  	[sflag:s0] =	ssyncadd.remote.s32 $0x1  }
0xc0: {  	_ =	sfence.sel $0xFFFF  }
0xc1: {  	[dreg:$0x0] =	wrdreg $0xFFFFFFFF;
	(pc) =	sbr.abs _section_cstart, $3  }
0xc2: {  	[dreg:$0x1] =	wrdreg $0xFFFFFFFF  }
0xc3: {  	_ =	task.clear_ibuf [dreg:s7], $0x2FFFF;
	_ =	strace $0x9FFFFFFF  }
0xc4: {  	(tm) =	ssettm $0x7FFFFFFF  }
0xc5: {  	_ =	shalt  }
tec
execute0_lowered:
.L_overlay_start_1:
0x0: {  	(tag) =	ssettag $0x1  }
0x1: {  	s0 =	rddreg [dreg:$0x0]  }
0x2: {  	s6 =	rddreg [dreg:$0x1]  }
0x3: {  	s1 =	rddreg [dreg:$0x2]  }
0x4: {  	s2 =	rddreg [dreg:$0x3]  }
0x5: {  	s3 =	srdreg.scid;
	s8 =	stileid.u32  }
0x6: {  	s17 =	simm.s32 $0x3;
	s18 =	simm.s32 $0x80;
	s10 =	smul.u32 $0x14000, s8  }
0x7: {  	s28 =	simm.s32 $0x300;
	s29 =	simm.s32 $0x380;
	s19 =	smul.u32 $0x50000, s8  }
0x8: {  	s30 =	simm.s32 $0x0;
	s7 =	sand.u32 $0x1, s3;
	s15 =	smul.u32 $0x2800, s8  }
0x9: {  	s3 =	simm.s32 $0x0;
	s4 =	sadd.s32 $0xB200, s0;
	s21 =	smul.u32 $0x1400, s8  }
0xa: {  	s13 =	sadd.s32 $0x1200, s0;
	s5 =	sadd.s32 $0x59C00, s0;
	s9 =	smul.u32 $0x280000, s7  }
0xb: {  	p0 =	sne.s32 s8, $0x0;
	s31 =	sshll.u32 s8, $0x6;
	s12 =	smul.u32 $0x50000, s7  }
0xc: {  	[smem:$0x7FF] =	sst s3;
	s11 =	ssub.s32 $0x2, s7;
	s7 =	smul.u32 $0x28000, s7  }
0xd: {  	_ =	strace $0x80000047;
	s14 =	sshrl.u32 s11, $0x1;
	s9 =	sadd.s32 s10, s9  }
0xe: {  	s11 =	ssub.s32 s11, s14;
	s10 =	sshrl.u32 s19, $0x2;
	s12 =	sadd.s32 s15, s12  }
0xf: {  	s7 =	sadd.s32 s21, s7;
	s14 =	sshrl.u32 @!p0 s1, $0x3;
	s15 =	sor.u32 $0x1C03, s31  }
0x10: {  	s19 =	simm.s32 $0x400;
	s21 =	simm.s32 $0x1;
	s9 =	sshrl.u32 s9, $0x3  }
0x11: {  	s20 =	sadd.s32 s10, s2;
	s23 =	smax.u32 s11, $0x1;
	s24 =	sshrl.u32 s12, $0x3  }
0x12: {  	s25 =	sshrl.u32 s7, $0x3;
	s12 =	sadd.s32 $0x28000, s12;
	s7 =	sadd.s32 $0x14000, s7  }
0x13: {  	s9 =	sadd.s32 s9, s0;
	s0 =	sadd.s32 $0x59400, s0;
	[dreg:$0x8] =	wrdreg s23  }
0x14: {  	s10 =	sadd.s32 s24, s6;
	s11 =	sadd.s32 s25, s13;
	s12 =	sshrl.u32 s12, $0x3  }
0x15: {  	s26 =	sshrl.u32 s7, $0x3;
	s16 =	sshrl.u32 s20, $0x3;
	s20 =	simm.s32 $0x4400  }
0x16: {  	s23 =	simm.s32 $0x100;
	s24 =	simm.s32 $0x2;
	s25 =	simm.s32 $0x280  }
0x17: {  	[dreg:$0x5] =	wrdreg s0;
	s22 =	sadd.s32 $0x5C400, s9;
	s9 =	sadd.s32 $0x84400, s9  }
0x18: {  	s12 =	sadd.s32 s12, s6;
	s13 =	sadd.s32 s26, s13;
	[dreg:$0x6] =	wrdreg s22  }
0x19: {  	s26 =	simm.s32 $0x180;
	[dreg:$0x7] =	wrdreg s9;
	s22 =	simm.s32 $0x200  }
.LBB2_1:
0x1a: {  	s0 =	simm.s32 @!p0 $0x1C03;
	s6 =	rddreg [dreg:$0x5]  }
0x1b: {  	[spmem:s14], [sflag:s0] =	dma.local @!p0 [hbm:s6], $0x800  }
0x1c: {  	s0 =	simm.s32 @!p0 $0x3  }
0x1d: {  	_ =	swait.ge @!p0 [sflag:s0], $0x800  }
0x1e: {  	[sflag:s0] =	ssyncset.done @!p0 $0x0  }
0x1f: {  	[sflag:s0] =	ssyncadd.s32 @!p0 $0xFFFFF800  }
0x20: {  	[bflag:$0x0] =	sbarrier.arrive $0xFFFF  }
0x21: {  	[spmem:s16], [sflag:s15] =	dma.local [hbm:s5], $0x2800  }
0x22: {  	_ =	swait.ge [sflag:s17], $0x2800  }
0x23: {  	[sflag:s17] =	ssyncset.done $0x0  }
0x24: {  	[sflag:s17] =	ssyncadd.s32 $0xFFFFD800  }
0x25: {  	s9 =	sadd.s32 $0x0, s10;
	[bflag:$0x0] =	sbarrier.arrive $0xFFFF  }
0x26: {  	[tilespmem:s3], [sflag:$0x3] =	stream.linear.gather [hbm4b:s9+s3], $0x400, $0x38;
	[tilespmem:$0x1C800] =	vst v63  }
0x27: {  	_ =	swait.ge [sflag:s17], $0x400  }
0x28: {  	[sflag:s17] =	ssyncset.done $0x0  }
0x29: {  	[sflag:s17] =	ssyncadd.s32 $0xFFFFFC00  }
0x2a: {  	[tilespmem:s19], [sflag:$0x1] =	stream.indirect.gather [hbm4b:s4+s18], $0x80, s3, s18, $0xb8;
	[tilespmem:$0x1C800] =	vst v63  }
0x2b: {  	_ = 	snop  }
0x2c: {  	[tilespmem:s20], [sflag:$0x2] =	stream.indirect.gather [hbm4b:s4+s18], $0x80, s18, s18, $0xb8;
	[tilespmem:$0x1C800] =	vst v63  }
0x2d: {  	_ =	swait.ge [sflag:s21], $0x4000  }
0x2e: {  	[sflag:s21] =	ssyncset.done $0x0  }
0x2f: {  	[sflag:s21] =	ssyncadd.s32 $0xFFFFC000  }
0x30: {  	[spmem:s2] =	stream.indirect.scatter.add.f32 [tilespmem:s19], [sflag:$0x3], $0x80, s22, s18, $0xb8;
	[tilespmem:$0x1C800] =	vst v63  }
0x31: {  	_ =	swait.ge [sflag:s17], $0x4000  }
0x32: {  	[sflag:s17] =	ssyncset.done $0x0  }
0x33: {  	[sflag:s17] =	ssyncadd.s32 $0xFFFFC000  }
0x34: {  	[tilespmem:s19], [sflag:$0x1] =	stream.indirect.gather [hbm4b:s4+s18], $0x80, s23, s18, $0xb8;
	[tilespmem:$0x1C800] =	vst v63  }
0x35: {  	_ =	swait.ge [sflag:s24], $0x4000  }
0x36: {  	[sflag:s24] =	ssyncset.done $0x0  }
0x37: {  	[sflag:s24] =	ssyncadd.s32 $0xFFFFC000  }
0x38: {  	[spmem:s2] =	stream.indirect.scatter.add.f32 [tilespmem:s20], [sflag:$0x3], $0x80, s25, s18, $0xb8;
	[tilespmem:$0x1C800] =	vst v63  }
0x39: {  	_ =	swait.ge [sflag:s17], $0x4000  }
0x3a: {  	[sflag:s17] =	ssyncset.done $0x0  }
0x3b: {  	[sflag:s17] =	ssyncadd.s32 $0xFFFFC000  }
0x3c: {  	[tilespmem:s20], [sflag:$0x2] =	stream.indirect.gather [hbm4b:s4+s18], $0x80, s26, s18, $0xb8;
	[tilespmem:$0x1C800] =	vst v63  }
0x3d: {  	_ =	swait.ge [sflag:s21], $0x4000  }
0x3e: {  	[sflag:s21] =	ssyncset.done $0x0  }
0x3f: {  	[sflag:s21] =	ssyncadd.s32 $0xFFFFC000  }
0x40: {  	[spmem:s2] =	stream.indirect.scatter.add.f32 [tilespmem:s19], [sflag:$0x3], $0x80, s28, s18, $0xb8;
	[tilespmem:$0x1C800] =	vst v63  }
0x41: {  	_ =	swait.ge [sflag:s17], $0x4000  }
0x42: {  	[sflag:s17] =	ssyncset.done $0x0  }
0x43: {  	[sflag:s17] =	ssyncadd.s32 $0xFFFFC000  }
0x44: {  	_ =	swait.ge [sflag:s24], $0x4000  }
0x45: {  	[sflag:s24] =	ssyncset.done $0x0  }
0x46: {  	[sflag:s24] =	ssyncadd.s32 $0xFFFFC000  }
0x47: {  	[spmem:s2] =	stream.indirect.scatter.add.f32 [tilespmem:s20], [sflag:$0x3], $0x80, s29, s18, $0xb8;
	[tilespmem:$0x1C800] =	vst v63  }
0x48: {  	_ =	swait.ge [sflag:s17], $0x4000  }
0x49: {  	s31 =	simm.s32 $0x100;
	s6 =	sadd.s32 $0x80, s10;
	[sflag:s17] =	ssyncset.done $0x0  }
.LBB2_2:
0x4a: {  	s7 =	sadd.s32 s31, s10;
	s0 =	simm.s32 $0x0;
	[sflag:s17] =	ssyncadd.s32 $0xFFFFC000  }
0x4b: {  	[tilespmem:s0], [sflag:$0x3] =	stream.linear.gather [hbm4b:s6+s0], $0x400, $0x38;
	[tilespmem:$0x1C800] =	vst v63  }
0x4c: {  	p1 =	sne.s32 s31, $0x480;
	s31 =	sadd.s32 $0x80, s31;
	_ =	swait.ge [sflag:s17], $0x400  }
0x4d: {  	s6 =	smov.u32 s7;
	[sflag:s17] =	ssyncset.done $0x0  }
0x4e: {  	[sflag:s17] =	ssyncadd.s32 $0xFFFFFC00  }
0x4f: {  	[tilespmem:s19], [sflag:$0x1] =	stream.indirect.gather [hbm4b:s4+s18], $0x80, s0, s18, $0xb8;
	[tilespmem:$0x1C800] =	vst v63  }
0x50: {  	_ = 	snop  }
0x51: {  	[tilespmem:s20], [sflag:$0x2] =	stream.indirect.gather [hbm4b:s4+s18], $0x80, s18, s18, $0xb8;
	[tilespmem:$0x1C800] =	vst v63  }
0x52: {  	_ =	swait.ge [sflag:s21], $0x4000  }
0x53: {  	[sflag:s21] =	ssyncset.done $0x0  }
0x54: {  	[sflag:s21] =	ssyncadd.s32 $0xFFFFC000  }
0x55: {  	[spmem:s2] =	stream.indirect.scatter.add.f32 [tilespmem:s19], [sflag:$0x3], $0x80, s22, s18, $0xb8;
	[tilespmem:$0x1C800] =	vst v63  }
0x56: {  	_ =	swait.ge [sflag:s17], $0x4000  }
0x57: {  	[sflag:s17] =	ssyncset.done $0x0  }
0x58: {  	[sflag:s17] =	ssyncadd.s32 $0xFFFFC000  }
0x59: {  	[tilespmem:s19], [sflag:$0x1] =	stream.indirect.gather [hbm4b:s4+s18], $0x80, s23, s18, $0xb8;
	[tilespmem:$0x1C800] =	vst v63  }
0x5a: {  	_ =	swait.ge [sflag:s24], $0x4000  }
0x5b: {  	[sflag:s24] =	ssyncset.done $0x0  }
0x5c: {  	[sflag:s24] =	ssyncadd.s32 $0xFFFFC000  }
0x5d: {  	[spmem:s2] =	stream.indirect.scatter.add.f32 [tilespmem:s20], [sflag:$0x3], $0x80, s25, s18, $0xb8;
	[tilespmem:$0x1C800] =	vst v63  }
0x5e: {  	_ =	swait.ge [sflag:s17], $0x4000  }
0x5f: {  	[sflag:s17] =	ssyncset.done $0x0  }
0x60: {  	[sflag:s17] =	ssyncadd.s32 $0xFFFFC000  }
0x61: {  	[tilespmem:s20], [sflag:$0x2] =	stream.indirect.gather [hbm4b:s4+s18], $0x80, s26, s18, $0xb8;
	[tilespmem:$0x1C800] =	vst v63  }
0x62: {  	_ =	swait.ge [sflag:s21], $0x4000  }
0x63: {  	[sflag:s21] =	ssyncset.done $0x0  }
0x64: {  	[sflag:s21] =	ssyncadd.s32 $0xFFFFC000  }
0x65: {  	[spmem:s2] =	stream.indirect.scatter.add.f32 [tilespmem:s19], [sflag:$0x3], $0x80, s28, s18, $0xb8;
	[tilespmem:$0x1C800] =	vst v63  }
0x66: {  	_ =	swait.ge [sflag:s17], $0x4000  }
0x67: {  	[sflag:s17] =	ssyncset.done $0x0  }
0x68: {  	[sflag:s17] =	ssyncadd.s32 $0xFFFFC000  }
0x69: {  	_ =	swait.ge [sflag:s24], $0x4000  }
.Ltmp0:
0x6a: {  	[sflag:s24] =	ssyncset.done $0x0;
	(pc) =	sbr.rel @p1 .LBB2_2-.Ltmp0, $4  }
0x6b: {  	[sflag:s24] =	ssyncadd.s32 $0xFFFFC000  }
0x6c: {  	[spmem:s2] =	stream.indirect.scatter.add.f32 [tilespmem:s20], [sflag:$0x3], $0x80, s29, s18, $0xb8;
	[tilespmem:$0x1C800] =	vst v63  }
0x6d: {  	_ =	swait.ge [sflag:s17], $0x4000  }
0x6e: {  	[sflag:s17] =	ssyncset.done $0x0  }
0x6f: {  	[sflag:s17] =	ssyncadd.s32 $0xFFFFC000  }
0x70: {  	[tilespmem:s0], [sflag:$0x3] =	stream.linear.gather [hbm4b:s6+s0], $0x400, $0x38;
	[tilespmem:$0x1C800] =	vst v63  }
0x71: {  	_ =	swait.ge [sflag:s17], $0x400  }
0x72: {  	[sflag:s17] =	ssyncset.done $0x0  }
0x73: {  	[sflag:s17] =	ssyncadd.s32 $0xFFFFFC00  }
0x74: {  	[tilespmem:s19], [sflag:$0x1] =	stream.indirect.gather [hbm4b:s4+s18], $0x80, s0, s18, $0xb8;
	[tilespmem:$0x1C800] =	vst v63  }
0x75: {  	_ = 	snop  }
0x76: {  	[tilespmem:s20], [sflag:$0x2] =	stream.indirect.gather [hbm4b:s4+s18], $0x80, s18, s18, $0xb8;
	[tilespmem:$0x1C800] =	vst v63  }
0x77: {  	_ =	swait.ge [sflag:s21], $0x4000  }
0x78: {  	[sflag:s21] =	ssyncset.done $0x0  }
0x79: {  	[sflag:s21] =	ssyncadd.s32 $0xFFFFC000  }
0x7a: {  	[spmem:s2] =	stream.indirect.scatter.add.f32 [tilespmem:s19], [sflag:$0x3], $0x80, s22, s18, $0xb8;
	[tilespmem:$0x1C800] =	vst v63  }
0x7b: {  	_ =	swait.ge [sflag:s17], $0x4000  }
0x7c: {  	[sflag:s17] =	ssyncset.done $0x0  }
0x7d: {  	[sflag:s17] =	ssyncadd.s32 $0xFFFFC000  }
0x7e: {  	[tilespmem:s19], [sflag:$0x1] =	stream.indirect.gather [hbm4b:s4+s18], $0x80, s23, s18, $0xb8;
	[tilespmem:$0x1C800] =	vst v63  }
0x7f: {  	_ =	swait.ge [sflag:s24], $0x4000  }
0x80: {  	[sflag:s24] =	ssyncset.done $0x0  }
0x81: {  	[sflag:s24] =	ssyncadd.s32 $0xFFFFC000  }
0x82: {  	[spmem:s2] =	stream.indirect.scatter.add.f32 [tilespmem:s20], [sflag:$0x3], $0x80, s25, s18, $0xb8;
	[tilespmem:$0x1C800] =	vst v63  }
0x83: {  	_ =	swait.ge [sflag:s17], $0x4000  }
0x84: {  	[sflag:s17] =	ssyncset.done $0x0  }
0x85: {  	[sflag:s17] =	ssyncadd.s32 $0xFFFFC000  }
0x86: {  	[tilespmem:s20], [sflag:$0x2] =	stream.indirect.gather [hbm4b:s4+s18], $0x80, s26, s18, $0xb8;
	[tilespmem:$0x1C800] =	vst v63  }
0x87: {  	_ =	swait.ge [sflag:s21], $0x4000  }
0x88: {  	[sflag:s21] =	ssyncset.done $0x0  }
0x89: {  	[sflag:s21] =	ssyncadd.s32 $0xFFFFC000  }
0x8a: {  	[spmem:s2] =	stream.indirect.scatter.add.f32 [tilespmem:s19], [sflag:$0x3], $0x80, s28, s18, $0xb8;
	[tilespmem:$0x1C800] =	vst v63  }
0x8b: {  	_ =	swait.ge [sflag:s17], $0x4000  }
0x8c: {  	[sflag:s17] =	ssyncset.done $0x0  }
0x8d: {  	[sflag:s17] =	ssyncadd.s32 $0xFFFFC000  }
0x8e: {  	_ =	swait.ge [sflag:s24], $0x4000  }
0x8f: {  	p2 =	por $0x1, $0x1;
	[sflag:s24] =	ssyncset.done $0x0  }
.Ltmp1:
0x90: {  	[sflag:s24] =	ssyncadd.s32 $0xFFFFC000;
	(pc) =	sbr.rel @!p2 .LBB2_8-.Ltmp1, $4  }
0x91: {  	[spmem:s2] =	stream.indirect.scatter.add.f32 [tilespmem:s20], [sflag:$0x3], $0x80, s29, s18, $0xb8;
	[tilespmem:$0x1C800] =	vst v63  }
0x92: {  	_ =	swait.ge [sflag:s17], $0x4000  }
0x93: {  	[sflag:s17] =	ssyncset.done $0x0  }
0x94: {  	s31 =	simm.s32 $0x80;
	p1 =	por $0x0, $0x0;
	[sflag:s17] =	ssyncadd.s32 $0xFFFFC000  }
0x95: {  	s0 =	sadd.s32 $0x0, s11  }
0x96: {  	[tilespmem:s3], [sflag:$0x3] =	stream.linear.gather [hbm4b:s0+s3], $0x400, $0x38;
	[tilespmem:$0x1C800] =	vst v63  }
0x97: {  	_ =	swait.ge [sflag:s17], $0x400  }
0x98: {  	[sflag:s17] =	ssyncset.done $0x0  }
0x99: {  	[sflag:s17] =	ssyncadd.s32 $0xFFFFFC00  }
0x9a: {  	[tilespmem:s19], [sflag:$0x3] =	stream.indirect.gather [spmem:s1], $0x80, s3, s18, $0xb8;
	[tilespmem:$0x1C800] =	vst v63  }
0x9b: {  	_ =	swait.ge [sflag:s17], $0x4000  }
0x9c: {  	[sflag:s17] =	ssyncset.done $0x0  }
0x9d: {  	[sflag:s17] =	ssyncadd.s32 $0xFFFFC000  }
0x9e: {  	[spmem:s2] =	stream.indirect.scatter.add.f32 [tilespmem:s19], [sflag:$0x3], $0x80, s22, s18, $0xb8;
	[tilespmem:$0x1C800] =	vst v63  }
0x9f: {  	_ =	swait.ge [sflag:s17], $0x4000  }
0xa0: {  	[sflag:s17] =	ssyncset.done $0x0  }
0xa1: {  	[sflag:s17] =	ssyncadd.s32 $0xFFFFC000  }
0xa2: {  	[tilespmem:s19], [sflag:$0x3] =	stream.indirect.gather [spmem:s1], $0x80, s18, s18, $0xb8;
	[tilespmem:$0x1C800] =	vst v63  }
0xa3: {  	_ =	swait.ge [sflag:s17], $0x4000  }
0xa4: {  	[sflag:s17] =	ssyncset.done $0x0  }
0xa5: {  	[sflag:s17] =	ssyncadd.s32 $0xFFFFC000  }
0xa6: {  	[spmem:s2] =	stream.indirect.scatter.add.f32 [tilespmem:s19], [sflag:$0x3], $0x80, s25, s18, $0xb8;
	[tilespmem:$0x1C800] =	vst v63  }
0xa7: {  	_ =	swait.ge [sflag:s17], $0x4000  }
0xa8: {  	[sflag:s17] =	ssyncset.done $0x0  }
0xa9: {  	[sflag:s17] =	ssyncadd.s32 $0xFFFFC000  }
0xaa: {  	[tilespmem:s19], [sflag:$0x3] =	stream.indirect.gather [spmem:s1], $0x80, s23, s18, $0xb8;
	[tilespmem:$0x1C800] =	vst v63  }
0xab: {  	_ =	swait.ge [sflag:s17], $0x4000  }
0xac: {  	[sflag:s17] =	ssyncset.done $0x0  }
0xad: {  	[sflag:s17] =	ssyncadd.s32 $0xFFFFC000  }
0xae: {  	[spmem:s2] =	stream.indirect.scatter.add.f32 [tilespmem:s19], [sflag:$0x3], $0x80, s28, s18, $0xb8;
	[tilespmem:$0x1C800] =	vst v63  }
0xaf: {  	_ =	swait.ge [sflag:s17], $0x4000  }
0xb0: {  	[sflag:s17] =	ssyncset.done $0x0  }
0xb1: {  	[sflag:s17] =	ssyncadd.s32 $0xFFFFC000  }
0xb2: {  	[tilespmem:s19], [sflag:$0x3] =	stream.indirect.gather [spmem:s1], $0x80, s26, s18, $0xb8;
	[tilespmem:$0x1C800] =	vst v63  }
0xb3: {  	p2 =	por $0x1, $0x1;
	_ =	swait.ge [sflag:s17], $0x4000  }
.Ltmp2:
0xb4: {  	[sflag:s17] =	ssyncset.done $0x0;
	(pc) =	sbr.rel @!p2 .LBB2_5-.Ltmp2, $4  }
0xb5: {  	[sflag:s17] =	ssyncadd.s32 $0xFFFFC000  }
0xb6: {  	[spmem:s2] =	stream.indirect.scatter.add.f32 [tilespmem:s19], [sflag:$0x3], $0x80, s29, s18, $0xb8;
	[tilespmem:$0x1C800] =	vst v63  }
0xb7: {  	_ =	swait.ge [sflag:s17], $0x4000  }
0xb8: {  	s6 =	simm.s32 $0x100;
	p1 =	por $0x1, $0x1;
	[sflag:s17] =	ssyncset.done $0x0  }
.LBB2_6:
0xb9: {  	s7 =	sadd.s32 s31, s11  }
0xba: {  	[sflag:s17] =	ssyncadd.s32 $0xFFFFC000;
	s31 =	smov.u32 s6;
	s0 =	sadd.s32 $0x80, s6  }
0xbb: {  	[tilespmem:s3], [sflag:$0x3] =	stream.linear.gather [hbm4b:s7+s3], $0x400, $0x38;
	[tilespmem:$0x1C800] =	vst v63  }
0xbc: {  	p2 =	sne.s32 s6, $0x200;
	_ =	swait.ge [sflag:s17], $0x400  }
0xbd: {  	[sflag:s17] =	ssyncset.done $0x0  }
0xbe: {  	[sflag:s17] =	ssyncadd.s32 $0xFFFFFC00  }
0xbf: {  	[tilespmem:s19], [sflag:$0x3] =	stream.indirect.gather [spmem:s1], $0x80, s3, s18, $0xb8;
	[tilespmem:$0x1C800] =	vst v63  }
0xc0: {  	_ =	swait.ge [sflag:s17], $0x4000  }
0xc1: {  	[sflag:s17] =	ssyncset.done $0x0  }
0xc2: {  	[sflag:s17] =	ssyncadd.s32 $0xFFFFC000  }
0xc3: {  	[spmem:s2] =	stream.indirect.scatter.add.f32 [tilespmem:s19], [sflag:$0x3], $0x80, s22, s18, $0xb8;
	[tilespmem:$0x1C800] =	vst v63  }
0xc4: {  	_ =	swait.ge [sflag:s17], $0x4000  }
0xc5: {  	[sflag:s17] =	ssyncset.done $0x0  }
0xc6: {  	[sflag:s17] =	ssyncadd.s32 $0xFFFFC000  }
0xc7: {  	[tilespmem:s19], [sflag:$0x3] =	stream.indirect.gather [spmem:s1], $0x80, s18, s18, $0xb8;
	[tilespmem:$0x1C800] =	vst v63  }
0xc8: {  	_ =	swait.ge [sflag:s17], $0x4000  }
0xc9: {  	[sflag:s17] =	ssyncset.done $0x0  }
0xca: {  	[sflag:s17] =	ssyncadd.s32 $0xFFFFC000  }
0xcb: {  	[spmem:s2] =	stream.indirect.scatter.add.f32 [tilespmem:s19], [sflag:$0x3], $0x80, s25, s18, $0xb8;
	[tilespmem:$0x1C800] =	vst v63  }
0xcc: {  	_ =	swait.ge [sflag:s17], $0x4000  }
0xcd: {  	[sflag:s17] =	ssyncset.done $0x0  }
0xce: {  	[sflag:s17] =	ssyncadd.s32 $0xFFFFC000  }
0xcf: {  	[tilespmem:s19], [sflag:$0x3] =	stream.indirect.gather [spmem:s1], $0x80, s23, s18, $0xb8;
	[tilespmem:$0x1C800] =	vst v63  }
0xd0: {  	_ =	swait.ge [sflag:s17], $0x4000  }
0xd1: {  	[sflag:s17] =	ssyncset.done $0x0  }
0xd2: {  	[sflag:s17] =	ssyncadd.s32 $0xFFFFC000  }
0xd3: {  	[spmem:s2] =	stream.indirect.scatter.add.f32 [tilespmem:s19], [sflag:$0x3], $0x80, s28, s18, $0xb8;
	[tilespmem:$0x1C800] =	vst v63  }
0xd4: {  	_ =	swait.ge [sflag:s17], $0x4000  }
0xd5: {  	[sflag:s17] =	ssyncset.done $0x0  }
0xd6: {  	[sflag:s17] =	ssyncadd.s32 $0xFFFFC000  }
0xd7: {  	[tilespmem:s19], [sflag:$0x3] =	stream.indirect.gather [spmem:s1], $0x80, s26, s18, $0xb8;
	[tilespmem:$0x1C800] =	vst v63  }
0xd8: {  	_ =	swait.ge [sflag:s17], $0x4000  }
.Ltmp3:
0xd9: {  	[sflag:s17] =	ssyncset.done $0x0;
	(pc) =	sbr.rel @p2 .LBB2_6-.Ltmp3, $4  }
0xda: {  	[sflag:s17] =	ssyncadd.s32 $0xFFFFC000  }
0xdb: {  	[spmem:s2] =	stream.indirect.scatter.add.f32 [tilespmem:s19], [sflag:$0x3], $0x80, s29, s18, $0xb8;
	[tilespmem:$0x1C800] =	vst v63  }
0xdc: {  	_ =	swait.ge [sflag:s17], $0x4000  }
0xdd: {  	s6 =	smov.u32 s0;
	[sflag:s17] =	ssyncset.done $0x0  }
0xde: {  	s0 =	smov.u32 s31  }
.LBB2_8:
0xdf: {  	s0 =	sadd.s32 s0, s11;
	[sflag:s17] =	ssyncadd.s32 @p1 $0xFFFFC000  }
0xe0: {  	[tilespmem:s3], [sflag:$0x3] =	stream.linear.gather [hbm4b:s0+s3], $0x400, $0x38;
	[tilespmem:$0x1C800] =	vst v63  }
0xe1: {  	_ =	swait.ge [sflag:s17], $0x400  }
0xe2: {  	[sflag:s17] =	ssyncset.done $0x0  }
0xe3: {  	[sflag:s17] =	ssyncadd.s32 $0xFFFFFC00  }
0xe4: {  	[tilespmem:s19], [sflag:$0x3] =	stream.indirect.gather [spmem:s1], $0x80, s3, s18, $0xb8;
	[tilespmem:$0x1C800] =	vst v63  }
0xe5: {  	_ =	swait.ge [sflag:s17], $0x4000  }
0xe6: {  	[sflag:s17] =	ssyncset.done $0x0  }
0xe7: {  	[sflag:s17] =	ssyncadd.s32 $0xFFFFC000  }
0xe8: {  	[spmem:s2] =	stream.indirect.scatter.add.f32 [tilespmem:s19], [sflag:$0x3], $0x80, s22, s18, $0xb8;
	[tilespmem:$0x1C800] =	vst v63  }
0xe9: {  	_ =	swait.ge [sflag:s17], $0x4000  }
0xea: {  	[sflag:s17] =	ssyncset.done $0x0  }
0xeb: {  	[sflag:s17] =	ssyncadd.s32 $0xFFFFC000  }
0xec: {  	[tilespmem:s19], [sflag:$0x3] =	stream.indirect.gather [spmem:s1], $0x80, s18, s18, $0xb8;
	[tilespmem:$0x1C800] =	vst v63  }
0xed: {  	_ =	swait.ge [sflag:s17], $0x4000  }
0xee: {  	[sflag:s17] =	ssyncset.done $0x0  }
0xef: {  	[sflag:s17] =	ssyncadd.s32 $0xFFFFC000  }
0xf0: {  	[spmem:s2] =	stream.indirect.scatter.add.f32 [tilespmem:s19], [sflag:$0x3], $0x80, s25, s18, $0xb8;
	[tilespmem:$0x1C800] =	vst v63  }
0xf1: {  	_ =	swait.ge [sflag:s17], $0x4000  }
0xf2: {  	[sflag:s17] =	ssyncset.done $0x0  }
0xf3: {  	[sflag:s17] =	ssyncadd.s32 $0xFFFFC000  }
0xf4: {  	[tilespmem:s19], [sflag:$0x3] =	stream.indirect.gather [spmem:s1], $0x80, s23, s18, $0xb8;
	[tilespmem:$0x1C800] =	vst v63  }
0xf5: {  	_ =	swait.ge [sflag:s17], $0x4000  }
0xf6: {  	[sflag:s17] =	ssyncset.done $0x0  }
0xf7: {  	[sflag:s17] =	ssyncadd.s32 $0xFFFFC000  }
0xf8: {  	[spmem:s2] =	stream.indirect.scatter.add.f32 [tilespmem:s19], [sflag:$0x3], $0x80, s28, s18, $0xb8;
	[tilespmem:$0x1C800] =	vst v63  }
0xf9: {  	_ =	swait.ge [sflag:s17], $0x4000  }
0xfa: {  	[sflag:s17] =	ssyncset.done $0x0  }
0xfb: {  	[sflag:s17] =	ssyncadd.s32 $0xFFFFC000  }
0xfc: {  	[tilespmem:s19], [sflag:$0x3] =	stream.indirect.gather [spmem:s1], $0x80, s26, s18, $0xb8;
	[tilespmem:$0x1C800] =	vst v63  }
0xfd: {  	_ =	swait.ge [sflag:s17], $0x4000  }
0xfe: {  	[sflag:s17] =	ssyncset.done $0x0  }
0xff: {  	[sflag:s17] =	ssyncadd.s32 $0xFFFFC000  }
0x100: {  	[spmem:s2] =	stream.indirect.scatter.add.f32 [tilespmem:s19], [sflag:$0x3], $0x80, s29, s18, $0xb8;
	[tilespmem:$0x1C800] =	vst v63  }
0x101: {  	_ =	swait.ge [sflag:s17], $0x4000  }
0x102: {  	[sflag:s17] =	ssyncset.done $0x0  }
0x103: {  	[sflag:s17] =	ssyncadd.s32 $0xFFFFC000  }
0x104: {  	[bflag:$0x0] =	sbarrier.arrive $0xFFFF  }
0x105: {  	s9 =	rddreg [dreg:$0x6]  }
0x106: {  	[hbm:s9], [sflag:s15] =	dma.local [spmem:s16], $0x2800  }
0x107: {  	_ =	swait.ge [sflag:s17], $0x2800  }
0x108: {  	[sflag:s17] =	ssyncset.done $0x0  }
0x109: {  	[sflag:s17] =	ssyncadd.s32 $0xFFFFD800  }
0x10a: {  	[bflag:$0x0] =	sbarrier.arrive $0xFFFF  }
0x10b: {  	[spmem:s16], [sflag:s15] =	dma.local [hbm:s5], $0x2800  }
0x10c: {  	_ =	swait.ge [sflag:s17], $0x2800  }
0x10d: {  	[sflag:s17] =	ssyncset.done $0x0  }
0x10e: {  	[sflag:s17] =	ssyncadd.s32 $0xFFFFD800  }
0x10f: {  	s6 =	sadd.s32 $0x0, s12;
	s0 =	simm.s32 $0x0;
	[bflag:$0x0] =	sbarrier.arrive $0xFFFF  }
0x110: {  	[tilespmem:s0], [sflag:$0x3] =	stream.linear.gather [hbm4b:s6+s0], $0x400, $0x38;
	[tilespmem:$0x1C800] =	vst v63  }
0x111: {  	_ =	swait.ge [sflag:s17], $0x400  }
0x112: {  	[sflag:s17] =	ssyncset.done $0x0  }
0x113: {  	[sflag:s17] =	ssyncadd.s32 $0xFFFFFC00  }
0x114: {  	[tilespmem:s19], [sflag:$0x1] =	stream.indirect.gather [hbm4b:s4+s18], $0x80, s0, s18, $0xb8;
	[tilespmem:$0x1C800] =	vst v63  }
0x115: {  	_ = 	snop  }
0x116: {  	[tilespmem:s20], [sflag:$0x2] =	stream.indirect.gather [hbm4b:s4+s18], $0x80, s18, s18, $0xb8;
	[tilespmem:$0x1C800] =	vst v63  }
0x117: {  	_ =	swait.ge [sflag:s21], $0x4000  }
0x118: {  	[sflag:s21] =	ssyncset.done $0x0  }
0x119: {  	[sflag:s21] =	ssyncadd.s32 $0xFFFFC000  }
0x11a: {  	[spmem:s2] =	stream.indirect.scatter.add.f32 [tilespmem:s19], [sflag:$0x3], $0x80, s22, s18, $0xb8;
	[tilespmem:$0x1C800] =	vst v63  }
0x11b: {  	_ =	swait.ge [sflag:s17], $0x4000  }
0x11c: {  	[sflag:s17] =	ssyncset.done $0x0  }
0x11d: {  	[sflag:s17] =	ssyncadd.s32 $0xFFFFC000  }
0x11e: {  	[tilespmem:s19], [sflag:$0x1] =	stream.indirect.gather [hbm4b:s4+s18], $0x80, s23, s18, $0xb8;
	[tilespmem:$0x1C800] =	vst v63  }
0x11f: {  	_ =	swait.ge [sflag:s24], $0x4000  }
0x120: {  	[sflag:s24] =	ssyncset.done $0x0  }
0x121: {  	[sflag:s24] =	ssyncadd.s32 $0xFFFFC000  }
0x122: {  	[spmem:s2] =	stream.indirect.scatter.add.f32 [tilespmem:s20], [sflag:$0x3], $0x80, s25, s18, $0xb8;
	[tilespmem:$0x1C800] =	vst v63  }
0x123: {  	_ =	swait.ge [sflag:s17], $0x4000  }
0x124: {  	[sflag:s17] =	ssyncset.done $0x0  }
0x125: {  	[sflag:s17] =	ssyncadd.s32 $0xFFFFC000  }
0x126: {  	[tilespmem:s20], [sflag:$0x2] =	stream.indirect.gather [hbm4b:s4+s18], $0x80, s26, s18, $0xb8;
	[tilespmem:$0x1C800] =	vst v63  }
0x127: {  	_ =	swait.ge [sflag:s21], $0x4000  }
0x128: {  	[sflag:s21] =	ssyncset.done $0x0  }
0x129: {  	[sflag:s21] =	ssyncadd.s32 $0xFFFFC000  }
0x12a: {  	[spmem:s2] =	stream.indirect.scatter.add.f32 [tilespmem:s19], [sflag:$0x3], $0x80, s28, s18, $0xb8;
	[tilespmem:$0x1C800] =	vst v63  }
0x12b: {  	_ =	swait.ge [sflag:s17], $0x4000  }
0x12c: {  	[sflag:s17] =	ssyncset.done $0x0  }
0x12d: {  	[sflag:s17] =	ssyncadd.s32 $0xFFFFC000  }
0x12e: {  	_ =	swait.ge [sflag:s24], $0x4000  }
0x12f: {  	[sflag:s24] =	ssyncset.done $0x0  }
0x130: {  	[sflag:s24] =	ssyncadd.s32 $0xFFFFC000  }
0x131: {  	[spmem:s2] =	stream.indirect.scatter.add.f32 [tilespmem:s20], [sflag:$0x3], $0x80, s29, s18, $0xb8;
	[tilespmem:$0x1C800] =	vst v63  }
0x132: {  	s31 =	simm.s32 $0x80;
	_ =	swait.ge [sflag:s17], $0x4000  }
0x133: {  	s7 =	simm.s32 $0x100;
	s6 =	simm.s32 $0x80;
	[sflag:s17] =	ssyncset.done $0x0  }
.LBB2_9:
0x134: {  	s9 =	sadd.s32 s6, s12  }
0x135: {  	[sflag:s17] =	ssyncadd.s32 $0xFFFFC000;
	s6 =	smov.u32 s7;
	s8 =	sadd.s32 $0x80, s7  }
0x136: {  	[tilespmem:s0], [sflag:$0x3] =	stream.linear.gather [hbm4b:s9+s0], $0x400, $0x38;
	[tilespmem:$0x1C800] =	vst v63  }
0x137: {  	p1 =	sne.s32 s7, $0x480;
	_ =	swait.ge [sflag:s17], $0x400  }
0x138: {  	[sflag:s17] =	ssyncset.done $0x0  }
0x139: {  	[sflag:s17] =	ssyncadd.s32 $0xFFFFFC00  }
0x13a: {  	[tilespmem:s19], [sflag:$0x1] =	stream.indirect.gather [hbm4b:s4+s18], $0x80, s0, s18, $0xb8;
	[tilespmem:$0x1C800] =	vst v63  }
0x13b: {  	_ = 	snop  }
0x13c: {  	[tilespmem:s20], [sflag:$0x2] =	stream.indirect.gather [hbm4b:s4+s18], $0x80, s18, s18, $0xb8;
	[tilespmem:$0x1C800] =	vst v63  }
0x13d: {  	_ =	swait.ge [sflag:s21], $0x4000  }
0x13e: {  	[sflag:s21] =	ssyncset.done $0x0  }
0x13f: {  	[sflag:s21] =	ssyncadd.s32 $0xFFFFC000  }
0x140: {  	[spmem:s2] =	stream.indirect.scatter.add.f32 [tilespmem:s19], [sflag:$0x3], $0x80, s22, s18, $0xb8;
	[tilespmem:$0x1C800] =	vst v63  }
0x141: {  	_ =	swait.ge [sflag:s17], $0x4000  }
0x142: {  	[sflag:s17] =	ssyncset.done $0x0  }
0x143: {  	[sflag:s17] =	ssyncadd.s32 $0xFFFFC000  }
0x144: {  	[tilespmem:s19], [sflag:$0x1] =	stream.indirect.gather [hbm4b:s4+s18], $0x80, s23, s18, $0xb8;
	[tilespmem:$0x1C800] =	vst v63  }
0x145: {  	_ =	swait.ge [sflag:s24], $0x4000  }
0x146: {  	[sflag:s24] =	ssyncset.done $0x0  }
0x147: {  	[sflag:s24] =	ssyncadd.s32 $0xFFFFC000  }
0x148: {  	[spmem:s2] =	stream.indirect.scatter.add.f32 [tilespmem:s20], [sflag:$0x3], $0x80, s25, s18, $0xb8;
	[tilespmem:$0x1C800] =	vst v63  }
0x149: {  	_ =	swait.ge [sflag:s17], $0x4000  }
0x14a: {  	[sflag:s17] =	ssyncset.done $0x0  }
0x14b: {  	[sflag:s17] =	ssyncadd.s32 $0xFFFFC000  }
0x14c: {  	[tilespmem:s20], [sflag:$0x2] =	stream.indirect.gather [hbm4b:s4+s18], $0x80, s26, s18, $0xb8;
	[tilespmem:$0x1C800] =	vst v63  }
0x14d: {  	_ =	swait.ge [sflag:s21], $0x4000  }
0x14e: {  	[sflag:s21] =	ssyncset.done $0x0  }
0x14f: {  	[sflag:s21] =	ssyncadd.s32 $0xFFFFC000  }
0x150: {  	[spmem:s2] =	stream.indirect.scatter.add.f32 [tilespmem:s19], [sflag:$0x3], $0x80, s28, s18, $0xb8;
	[tilespmem:$0x1C800] =	vst v63  }
0x151: {  	_ =	swait.ge [sflag:s17], $0x4000  }
0x152: {  	[sflag:s17] =	ssyncset.done $0x0  }
0x153: {  	[sflag:s17] =	ssyncadd.s32 $0xFFFFC000  }
0x154: {  	_ =	swait.ge [sflag:s24], $0x4000  }
.Ltmp4:
0x155: {  	[sflag:s24] =	ssyncset.done $0x0;
	(pc) =	sbr.rel @p1 .LBB2_9-.Ltmp4, $4  }
0x156: {  	[sflag:s24] =	ssyncadd.s32 $0xFFFFC000  }
0x157: {  	[spmem:s2] =	stream.indirect.scatter.add.f32 [tilespmem:s20], [sflag:$0x3], $0x80, s29, s18, $0xb8;
	[tilespmem:$0x1C800] =	vst v63  }
0x158: {  	_ =	swait.ge [sflag:s17], $0x4000  }
0x159: {  	s7 =	smov.u32 s8;
	[sflag:s17] =	ssyncset.done $0x0  }
0x15a: {  	s6 =	sadd.s32 s6, s12;
	[sflag:s17] =	ssyncadd.s32 $0xFFFFC000  }
0x15b: {  	[tilespmem:s0], [sflag:$0x3] =	stream.linear.gather [hbm4b:s6+s0], $0x400, $0x38;
	[tilespmem:$0x1C800] =	vst v63  }
0x15c: {  	_ =	swait.ge [sflag:s17], $0x400  }
0x15d: {  	[sflag:s17] =	ssyncset.done $0x0  }
0x15e: {  	[sflag:s17] =	ssyncadd.s32 $0xFFFFFC00  }
0x15f: {  	[tilespmem:s19], [sflag:$0x1] =	stream.indirect.gather [hbm4b:s4+s18], $0x80, s0, s18, $0xb8;
	[tilespmem:$0x1C800] =	vst v63  }
0x160: {  	_ = 	snop  }
0x161: {  	[tilespmem:s20], [sflag:$0x2] =	stream.indirect.gather [hbm4b:s4+s18], $0x80, s18, s18, $0xb8;
	[tilespmem:$0x1C800] =	vst v63  }
0x162: {  	_ =	swait.ge [sflag:s21], $0x4000  }
0x163: {  	[sflag:s21] =	ssyncset.done $0x0  }
0x164: {  	[sflag:s21] =	ssyncadd.s32 $0xFFFFC000  }
0x165: {  	[spmem:s2] =	stream.indirect.scatter.add.f32 [tilespmem:s19], [sflag:$0x3], $0x80, s22, s18, $0xb8;
	[tilespmem:$0x1C800] =	vst v63  }
0x166: {  	_ =	swait.ge [sflag:s17], $0x4000  }
0x167: {  	[sflag:s17] =	ssyncset.done $0x0  }
0x168: {  	[sflag:s17] =	ssyncadd.s32 $0xFFFFC000  }
0x169: {  	[tilespmem:s19], [sflag:$0x1] =	stream.indirect.gather [hbm4b:s4+s18], $0x80, s23, s18, $0xb8;
	[tilespmem:$0x1C800] =	vst v63  }
0x16a: {  	_ =	swait.ge [sflag:s24], $0x4000  }
0x16b: {  	[sflag:s24] =	ssyncset.done $0x0  }
0x16c: {  	[sflag:s24] =	ssyncadd.s32 $0xFFFFC000  }
0x16d: {  	[spmem:s2] =	stream.indirect.scatter.add.f32 [tilespmem:s20], [sflag:$0x3], $0x80, s25, s18, $0xb8;
	[tilespmem:$0x1C800] =	vst v63  }
0x16e: {  	_ =	swait.ge [sflag:s17], $0x4000  }
0x16f: {  	[sflag:s17] =	ssyncset.done $0x0  }
0x170: {  	[sflag:s17] =	ssyncadd.s32 $0xFFFFC000  }
0x171: {  	[tilespmem:s20], [sflag:$0x2] =	stream.indirect.gather [hbm4b:s4+s18], $0x80, s26, s18, $0xb8;
	[tilespmem:$0x1C800] =	vst v63  }
0x172: {  	_ =	swait.ge [sflag:s21], $0x4000  }
0x173: {  	[sflag:s21] =	ssyncset.done $0x0  }
0x174: {  	[sflag:s21] =	ssyncadd.s32 $0xFFFFC000  }
0x175: {  	[spmem:s2] =	stream.indirect.scatter.add.f32 [tilespmem:s19], [sflag:$0x3], $0x80, s28, s18, $0xb8;
	[tilespmem:$0x1C800] =	vst v63  }
0x176: {  	_ =	swait.ge [sflag:s17], $0x4000  }
0x177: {  	[sflag:s17] =	ssyncset.done $0x0  }
0x178: {  	[sflag:s17] =	ssyncadd.s32 $0xFFFFC000  }
0x179: {  	_ =	swait.ge [sflag:s24], $0x4000  }
0x17a: {  	[sflag:s24] =	ssyncset.done $0x0  }
0x17b: {  	[sflag:s24] =	ssyncadd.s32 $0xFFFFC000  }
0x17c: {  	[spmem:s2] =	stream.indirect.scatter.add.f32 [tilespmem:s20], [sflag:$0x3], $0x80, s29, s18, $0xb8;
	[tilespmem:$0x1C800] =	vst v63  }
0x17d: {  	_ =	swait.ge [sflag:s17], $0x4000  }
0x17e: {  	[sflag:s17] =	ssyncset.done $0x0  }
0x17f: {  	s9 =	sadd.s32 $0x0, s13;
	[sflag:s17] =	ssyncadd.s32 $0xFFFFC000  }
0x180: {  	[tilespmem:s3], [sflag:$0x3] =	stream.linear.gather [hbm4b:s9+s3], $0x400, $0x38;
	[tilespmem:$0x1C800] =	vst v63  }
0x181: {  	_ =	swait.ge [sflag:s17], $0x400  }
0x182: {  	[sflag:s17] =	ssyncset.done $0x0  }
0x183: {  	[sflag:s17] =	ssyncadd.s32 $0xFFFFFC00  }
0x184: {  	[tilespmem:s19], [sflag:$0x3] =	stream.indirect.gather [spmem:s1], $0x80, s3, s18, $0xb8;
	[tilespmem:$0x1C800] =	vst v63  }
0x185: {  	_ =	swait.ge [sflag:s17], $0x4000  }
0x186: {  	[sflag:s17] =	ssyncset.done $0x0  }
0x187: {  	[sflag:s17] =	ssyncadd.s32 $0xFFFFC000  }
0x188: {  	[spmem:s2] =	stream.indirect.scatter.add.f32 [tilespmem:s19], [sflag:$0x3], $0x80, s22, s18, $0xb8;
	[tilespmem:$0x1C800] =	vst v63  }
0x189: {  	_ =	swait.ge [sflag:s17], $0x4000  }
0x18a: {  	[sflag:s17] =	ssyncset.done $0x0  }
0x18b: {  	[sflag:s17] =	ssyncadd.s32 $0xFFFFC000  }
0x18c: {  	[tilespmem:s19], [sflag:$0x3] =	stream.indirect.gather [spmem:s1], $0x80, s18, s18, $0xb8;
	[tilespmem:$0x1C800] =	vst v63  }
0x18d: {  	_ =	swait.ge [sflag:s17], $0x4000  }
0x18e: {  	[sflag:s17] =	ssyncset.done $0x0  }
0x18f: {  	[sflag:s17] =	ssyncadd.s32 $0xFFFFC000  }
0x190: {  	[spmem:s2] =	stream.indirect.scatter.add.f32 [tilespmem:s19], [sflag:$0x3], $0x80, s25, s18, $0xb8;
	[tilespmem:$0x1C800] =	vst v63  }
0x191: {  	_ =	swait.ge [sflag:s17], $0x4000  }
0x192: {  	[sflag:s17] =	ssyncset.done $0x0  }
0x193: {  	[sflag:s17] =	ssyncadd.s32 $0xFFFFC000  }
0x194: {  	[tilespmem:s19], [sflag:$0x3] =	stream.indirect.gather [spmem:s1], $0x80, s23, s18, $0xb8;
	[tilespmem:$0x1C800] =	vst v63  }
0x195: {  	_ =	swait.ge [sflag:s17], $0x4000  }
0x196: {  	[sflag:s17] =	ssyncset.done $0x0  }
0x197: {  	[sflag:s17] =	ssyncadd.s32 $0xFFFFC000  }
0x198: {  	[spmem:s2] =	stream.indirect.scatter.add.f32 [tilespmem:s19], [sflag:$0x3], $0x80, s28, s18, $0xb8;
	[tilespmem:$0x1C800] =	vst v63  }
0x199: {  	_ =	swait.ge [sflag:s17], $0x4000  }
0x19a: {  	[sflag:s17] =	ssyncset.done $0x0  }
0x19b: {  	[sflag:s17] =	ssyncadd.s32 $0xFFFFC000  }
0x19c: {  	[tilespmem:s19], [sflag:$0x3] =	stream.indirect.gather [spmem:s1], $0x80, s26, s18, $0xb8;
	[tilespmem:$0x1C800] =	vst v63  }
0x19d: {  	_ =	swait.ge [sflag:s17], $0x4000  }
0x19e: {  	[sflag:s17] =	ssyncset.done $0x0  }
0x19f: {  	[sflag:s17] =	ssyncadd.s32 $0xFFFFC000  }
0x1a0: {  	[spmem:s2] =	stream.indirect.scatter.add.f32 [tilespmem:s19], [sflag:$0x3], $0x80, s29, s18, $0xb8;
	[tilespmem:$0x1C800] =	vst v63  }
0x1a1: {  	_ =	swait.ge [sflag:s17], $0x4000  }
0x1a2: {  	s6 =	simm.s32 $0x100;
	[sflag:s17] =	ssyncset.done $0x0  }
.LBB2_11:
0x1a3: {  	s7 =	sadd.s32 s31, s13  }
0x1a4: {  	[sflag:s17] =	ssyncadd.s32 $0xFFFFC000;
	s31 =	smov.u32 s6;
	s0 =	sadd.s32 $0x80, s6  }
0x1a5: {  	[tilespmem:s3], [sflag:$0x3] =	stream.linear.gather [hbm4b:s7+s3], $0x400, $0x38;
	[tilespmem:$0x1C800] =	vst v63  }
0x1a6: {  	p1 =	sne.s32 s6, $0x200;
	_ =	swait.ge [sflag:s17], $0x400  }
0x1a7: {  	[sflag:s17] =	ssyncset.done $0x0  }
0x1a8: {  	[sflag:s17] =	ssyncadd.s32 $0xFFFFFC00  }
0x1a9: {  	[tilespmem:s19], [sflag:$0x3] =	stream.indirect.gather [spmem:s1], $0x80, s3, s18, $0xb8;
	[tilespmem:$0x1C800] =	vst v63  }
0x1aa: {  	_ =	swait.ge [sflag:s17], $0x4000  }
0x1ab: {  	[sflag:s17] =	ssyncset.done $0x0  }
0x1ac: {  	[sflag:s17] =	ssyncadd.s32 $0xFFFFC000  }
0x1ad: {  	[spmem:s2] =	stream.indirect.scatter.add.f32 [tilespmem:s19], [sflag:$0x3], $0x80, s22, s18, $0xb8;
	[tilespmem:$0x1C800] =	vst v63  }
0x1ae: {  	_ =	swait.ge [sflag:s17], $0x4000  }
0x1af: {  	[sflag:s17] =	ssyncset.done $0x0  }
0x1b0: {  	[sflag:s17] =	ssyncadd.s32 $0xFFFFC000  }
0x1b1: {  	[tilespmem:s19], [sflag:$0x3] =	stream.indirect.gather [spmem:s1], $0x80, s18, s18, $0xb8;
	[tilespmem:$0x1C800] =	vst v63  }
0x1b2: {  	_ =	swait.ge [sflag:s17], $0x4000  }
0x1b3: {  	[sflag:s17] =	ssyncset.done $0x0  }
0x1b4: {  	[sflag:s17] =	ssyncadd.s32 $0xFFFFC000  }
0x1b5: {  	[spmem:s2] =	stream.indirect.scatter.add.f32 [tilespmem:s19], [sflag:$0x3], $0x80, s25, s18, $0xb8;
	[tilespmem:$0x1C800] =	vst v63  }
0x1b6: {  	_ =	swait.ge [sflag:s17], $0x4000  }
0x1b7: {  	[sflag:s17] =	ssyncset.done $0x0  }
0x1b8: {  	[sflag:s17] =	ssyncadd.s32 $0xFFFFC000  }
0x1b9: {  	[tilespmem:s19], [sflag:$0x3] =	stream.indirect.gather [spmem:s1], $0x80, s23, s18, $0xb8;
	[tilespmem:$0x1C800] =	vst v63  }
0x1ba: {  	_ =	swait.ge [sflag:s17], $0x4000  }
0x1bb: {  	[sflag:s17] =	ssyncset.done $0x0  }
0x1bc: {  	[sflag:s17] =	ssyncadd.s32 $0xFFFFC000  }
0x1bd: {  	[spmem:s2] =	stream.indirect.scatter.add.f32 [tilespmem:s19], [sflag:$0x3], $0x80, s28, s18, $0xb8;
	[tilespmem:$0x1C800] =	vst v63  }
0x1be: {  	_ =	swait.ge [sflag:s17], $0x4000  }
0x1bf: {  	[sflag:s17] =	ssyncset.done $0x0  }
0x1c0: {  	[sflag:s17] =	ssyncadd.s32 $0xFFFFC000  }
0x1c1: {  	[tilespmem:s19], [sflag:$0x3] =	stream.indirect.gather [spmem:s1], $0x80, s26, s18, $0xb8;
	[tilespmem:$0x1C800] =	vst v63  }
0x1c2: {  	_ =	swait.ge [sflag:s17], $0x4000  }
.Ltmp5:
0x1c3: {  	[sflag:s17] =	ssyncset.done $0x0;
	(pc) =	sbr.rel @p1 .LBB2_11-.Ltmp5, $4  }
0x1c4: {  	[sflag:s17] =	ssyncadd.s32 $0xFFFFC000  }
0x1c5: {  	[spmem:s2] =	stream.indirect.scatter.add.f32 [tilespmem:s19], [sflag:$0x3], $0x80, s29, s18, $0xb8;
	[tilespmem:$0x1C800] =	vst v63  }
0x1c6: {  	_ =	swait.ge [sflag:s17], $0x4000  }
0x1c7: {  	s6 =	smov.u32 s0;
	[sflag:s17] =	ssyncset.done $0x0  }
0x1c8: {  	s0 =	sadd.s32 s31, s13;
	[sflag:s17] =	ssyncadd.s32 $0xFFFFC000  }
0x1c9: {  	[tilespmem:s3], [sflag:$0x3] =	stream.linear.gather [hbm4b:s0+s3], $0x400, $0x38;
	[tilespmem:$0x1C800] =	vst v63  }
0x1ca: {  	_ =	swait.ge [sflag:s17], $0x400  }
0x1cb: {  	[sflag:s17] =	ssyncset.done $0x0  }
0x1cc: {  	[sflag:s17] =	ssyncadd.s32 $0xFFFFFC00  }
0x1cd: {  	[tilespmem:s19], [sflag:$0x3] =	stream.indirect.gather [spmem:s1], $0x80, s3, s18, $0xb8;
	[tilespmem:$0x1C800] =	vst v63  }
0x1ce: {  	_ =	swait.ge [sflag:s17], $0x4000  }
0x1cf: {  	[sflag:s17] =	ssyncset.done $0x0  }
0x1d0: {  	[sflag:s17] =	ssyncadd.s32 $0xFFFFC000  }
0x1d1: {  	[spmem:s2] =	stream.indirect.scatter.add.f32 [tilespmem:s19], [sflag:$0x3], $0x80, s22, s18, $0xb8;
	[tilespmem:$0x1C800] =	vst v63  }
0x1d2: {  	_ =	swait.ge [sflag:s17], $0x4000  }
0x1d3: {  	[sflag:s17] =	ssyncset.done $0x0  }
0x1d4: {  	[sflag:s17] =	ssyncadd.s32 $0xFFFFC000  }
0x1d5: {  	[tilespmem:s19], [sflag:$0x3] =	stream.indirect.gather [spmem:s1], $0x80, s18, s18, $0xb8;
	[tilespmem:$0x1C800] =	vst v63  }
0x1d6: {  	_ =	swait.ge [sflag:s17], $0x4000  }
0x1d7: {  	[sflag:s17] =	ssyncset.done $0x0  }
0x1d8: {  	[sflag:s17] =	ssyncadd.s32 $0xFFFFC000  }
0x1d9: {  	[spmem:s2] =	stream.indirect.scatter.add.f32 [tilespmem:s19], [sflag:$0x3], $0x80, s25, s18, $0xb8;
	[tilespmem:$0x1C800] =	vst v63  }
0x1da: {  	_ =	swait.ge [sflag:s17], $0x4000  }
0x1db: {  	[sflag:s17] =	ssyncset.done $0x0  }
0x1dc: {  	[sflag:s17] =	ssyncadd.s32 $0xFFFFC000  }
0x1dd: {  	[tilespmem:s19], [sflag:$0x3] =	stream.indirect.gather [spmem:s1], $0x80, s23, s18, $0xb8;
	[tilespmem:$0x1C800] =	vst v63  }
0x1de: {  	_ =	swait.ge [sflag:s17], $0x4000  }
0x1df: {  	[sflag:s17] =	ssyncset.done $0x0  }
0x1e0: {  	[sflag:s17] =	ssyncadd.s32 $0xFFFFC000  }
0x1e1: {  	[spmem:s2] =	stream.indirect.scatter.add.f32 [tilespmem:s19], [sflag:$0x3], $0x80, s28, s18, $0xb8;
	[tilespmem:$0x1C800] =	vst v63  }
0x1e2: {  	_ =	swait.ge [sflag:s17], $0x4000  }
0x1e3: {  	[sflag:s17] =	ssyncset.done $0x0  }
0x1e4: {  	[sflag:s17] =	ssyncadd.s32 $0xFFFFC000  }
0x1e5: {  	[tilespmem:s19], [sflag:$0x3] =	stream.indirect.gather [spmem:s1], $0x80, s26, s18, $0xb8;
	[tilespmem:$0x1C800] =	vst v63  }
0x1e6: {  	_ =	swait.ge [sflag:s17], $0x4000  }
0x1e7: {  	[sflag:s17] =	ssyncset.done $0x0  }
0x1e8: {  	[sflag:s17] =	ssyncadd.s32 $0xFFFFC000  }
0x1e9: {  	[spmem:s2] =	stream.indirect.scatter.add.f32 [tilespmem:s19], [sflag:$0x3], $0x80, s29, s18, $0xb8;
	[tilespmem:$0x1C800] =	vst v63  }
0x1ea: {  	_ =	swait.ge [sflag:s17], $0x4000  }
0x1eb: {  	[sflag:s17] =	ssyncset.done $0x0  }
0x1ec: {  	[sflag:s17] =	ssyncadd.s32 $0xFFFFC000  }
0x1ed: {  	[bflag:$0x0] =	sbarrier.arrive $0xFFFF  }
0x1ee: {  	s9 =	rddreg [dreg:$0x7]  }
0x1ef: {  	[hbm:s9], [sflag:s15] =	dma.local [spmem:s16], $0x2800  }
0x1f0: {  	_ =	swait.ge [sflag:s17], $0x2800  }
0x1f1: {  	s30 =	sadd.s32 $0x1, s30;
	s31 =	rddreg [dreg:$0x8]  }
0x1f2: {  	p1 =	sne.s32 s30, s31  }
.Ltmp6:
0x1f3: {  	_ = 	snop;
	(pc) =	sbr.rel @p1 .LBB2_1-.Ltmp6, $4  }
.Ltmp7:
0x1f4: {  	[sflag:s17] =	ssyncset.done $0x0;
	(pc) =	sbr.rel @!p1 .LBB2_13-.Ltmp7, $4  }
0x1f5: {  	[sflag:s17] =	ssyncadd.s32 $0xFFFFD800  }
0x1f6: {  	[bflag:$0x0] =	sbarrier.arrive $0xFFFF  }
0x1f7: {  	_ = 	snop  }
0x1f8: {  	_ = 	snop  }
.LBB2_5:
.Ltmp8:
0x1f9: {  	(pc) =	sbr.rel .LBB2_8-.Ltmp8, $2  }
0x1fa: {  	_ =	sdelay $0x2  }
0x1fb: {  	s0 =	simm.s32 $0x80  }
.LBB2_13:
0x1fc: {  	_ =	sfence.sel $0x180000  }
0x1fd: {  	[bflag:$0x0] =	sbarrier.arrive $0xFFFF  }
0x1fe: {  	_ =	strace $0x90000047  }
0x1ff: {  	[bflag:$0x2] =	sbarrier.arrive $0xFFFF  }
0x200: {  	s0 =	rddreg [dreg:$0x4]  }
0x201: {  	s0 =	sadd.s32 @!p0 $0x100000, s0  }
0x202: {  	[sflag:s0] =	ssyncadd.tile.s32 @!p0 $0x1;
	_ =	shalt  }
.Lfunc_end2:
_tile_overlayer_lowered:
.L_overlay_start_2:
0x203: {  	(tag) =	ssettag $0x2  }
0x204: {  	s0 =	rddreg [dreg:$0x0];
	s2 =	stileid.u32  }
0x205: {  	s1 =	rddreg [dreg:$0x1];
	p0 =	sne.s32 s2, $0x0  }
0x206: {  	s3 =	rddreg [dreg:$0x2];
	[bflag:$0x3] =	sbarrier.arrive $0xFFFF;
	s2 =	simm.s32 @!p0 $0x1C03  }
0x207: {  	[timem:s3], [sflag:s2] =	dma.local @!p0 [hbm:s0], s1  }
0x208: {  	s0 =	simm.s32 @!p0 $0x3  }
0x209: {  	_ =	swait.ge @!p0 [sflag:s0], s1  }
0x20a: {  	s1 =	ssub.s32 @!p0 $0x0, s1;
	[sflag:s0] =	ssyncset.done @!p0 $0x0  }
0x20b: {  	[sflag:s0] =	ssyncadd.s32 @!p0 s1  }
0x20c: {  	[bflag:$0x3] =	sbarrier.arrive $0xFFFF  }
0x20d: {  	_ =	shalt  }

</sc_bundles>
